<compile_context>
chip_gen: v7x
topology: tpu7x:2x2x1
jax: 0.10.2.dev20260603
libtpu: 0.0.44.dev20260713+nightly
codegen_flags: <defaults>
</compile_context>

<pallas_src>
import functools

import jax
import jax.numpy as jnp
from jax import lax
from jax.experimental import pallas as pl
from jax.experimental.pallas import tpu as pltpu
from jax.experimental.pallas import tpu_sc as plsc

VOCAB = 100000
DIM = 1024
BATCH = 4
SEQ = 2048

_info = plsc.get_sparse_core_info()
NC, NS = _info.num_cores, _info.num_subcores
NW = NC * NS
TOTAL_ROWS = BATCH * SEQ
ROWS_PER_W = TOTAL_ROWS // NW
CHUNK = 16
N_CHUNKS = ROWS_PER_W // CHUNK
NBUF = 6


def _gather_body(idx_hbm, table_hbm, out_hbm, idx_v, *rest):
    bufs = rest[:NBUF]
    gsems = rest[NBUF:2 * NBUF]
    osems = rest[2 * NBUF:3 * NBUF]
    wid = lax.axis_index("s") * NC + lax.axis_index("c")
    base = wid * ROWS_PER_W
    per_batch = SEQ // ROWS_PER_W
    b = wid // per_batch
    off = (wid % per_batch) * ROWS_PER_W
    pltpu.sync_copy(idx_hbm.at[b, pl.ds(off, ROWS_PER_W)], idx_v)

    pend_g = [None] * N_CHUNKS
    pend_o = [None] * N_CHUNKS
    for c in range(min(NBUF, N_CHUNKS)):
        pend_g[c] = pltpu.async_copy(
            table_hbm.at[idx_v.at[pl.ds(c * CHUNK, CHUNK)]], bufs[c],
            gsems[c])
    for c in range(N_CHUNKS):
        pend_g[c].wait()
        pend_o[c] = pltpu.async_copy(
            bufs[c % NBUF], out_hbm.at[pl.ds(base + c * CHUNK, CHUNK)],
            osems[c % NBUF])
        g = c + NBUF - 1
        if c >= 1 and g < N_CHUNKS:
            pend_o[c - 1].wait()
            pend_o[c - 1] = None
            pend_g[g] = pltpu.async_copy(
                table_hbm.at[idx_v.at[pl.ds(g * CHUNK, CHUNK)]],
                bufs[g % NBUF], gsems[g % NBUF])
    for o in pend_o:
        if o is not None:
            o.wait()


@jax.jit
def _embedding_gather(ids, table):
    mesh = plsc.VectorSubcoreMesh(core_axis_name="c", subcore_axis_name="s")
    kern = functools.partial(
        pl.kernel,
        mesh=mesh,
        out_type=jax.ShapeDtypeStruct((TOTAL_ROWS, DIM), jnp.float32),
        scratch_types=(
            [pltpu.VMEM((ROWS_PER_W,), jnp.int32)]
            + [pltpu.VMEM((CHUNK, DIM), jnp.float32)] * NBUF
            + [pltpu.SemaphoreType.DMA] * (2 * NBUF)
        ),
    )(_gather_body)
    return kern(ids, table)


def kernel(input_ids, embed_tokens, cos_cached, sin_cached):
    seq_len = input_ids.shape[1]
    rows = _embedding_gather(input_ids, embed_tokens)
    x = rows.reshape(input_ids.shape[0], seq_len, DIM)
    cos = cos_cached[:seq_len].astype(x.dtype)
    sin = sin_cached[:seq_len].astype(x.dtype)
    return (x, cos, sin)

# --- scband reference (transcript-rebuilt; emitter-appended) ---
"""Pipeline reference for scband-ultra-optimized-embedding-18614388261028 (READ-ONLY COPY).

The authoritative reference and input builder live on the scoring server;
editing this copy changes nothing except your own understanding.
"""

import jax, jax.numpy as jnp
import numpy as np

VOCAB = 100000
DIM = 1024
N_HEADS = 16
HEAD_DIM = DIM // N_HEADS
MAX_SEQ = 2048
BATCH = 4
SEQ = 2048


def _precompute_rope():
    rope_dim = HEAD_DIM // 2
    inv_freq = 1.0 / (10000.0 ** (jnp.arange(0, rope_dim * 2, 2, dtype=jnp.float32) / HEAD_DIM))
    t = jnp.arange(MAX_SEQ, dtype=jnp.float32)
    freqs = jnp.outer(t, inv_freq)
    return jnp.cos(freqs), jnp.sin(freqs)


def setup_inputs(seed: int = 0) -> dict:
    key = jax.random.key(seed)
    k1, k2 = jax.random.split(key)
    input_ids = jax.random.randint(k1, (BATCH, SEQ), 0, VOCAB, dtype=jnp.int32)
    embed_tokens = jax.random.normal(k2, (VOCAB, DIM), dtype=jnp.float32) * 0.02
    cos_cached, sin_cached = _precompute_rope()
    return {
        "input_ids": input_ids,
        "embed_tokens": embed_tokens,
        "cos_cached": cos_cached,
        "sin_cached": sin_cached,
    }


def reference(input_ids, embed_tokens, cos_cached, sin_cached):
    seq_len = input_ids.shape[1]
    x = jnp.take(embed_tokens, input_ids, axis=0)
    cos = cos_cached[:seq_len].astype(x.dtype)
    sin = sin_cached[:seq_len].astype(x.dtype)
    return (x, cos, sin)

if __name__ == "__main__":
    import jax
    _d = setup_inputs()
    print(jax.jit(kernel)(*tuple(_d.values())))

</pallas_src>

<mosaic_0001>
#map = affine_map<(d0, d1) -> (0, 0)>
module attributes {stable_mosaic.version = 14 : i64} {
  func.func @_gather_body(%arg0: i32, %arg1: i32, %arg2: memref<4x2048xi32, #tpu.memory_space<hbm>>, %arg3: memref<100000x1024xf32, #tpu.memory_space<hbm>>, %arg4: memref<8192x1024xf32, #tpu.memory_space<hbm>>, %arg5: memref<256xi32, #tpu.memory_space<vmem>>, %arg6: memref<16x1024xf32, #tpu.memory_space<vmem>>, %arg7: memref<16x1024xf32, #tpu.memory_space<vmem>>, %arg8: memref<16x1024xf32, #tpu.memory_space<vmem>>, %arg9: memref<16x1024xf32, #tpu.memory_space<vmem>>, %arg10: memref<16x1024xf32, #tpu.memory_space<vmem>>, %arg11: memref<16x1024xf32, #tpu.memory_space<vmem>>, %arg12: memref<!tpu.dma_semaphore, #tpu.memory_space<semaphore_mem>>, %arg13: memref<!tpu.dma_semaphore, #tpu.memory_space<semaphore_mem>>, %arg14: memref<!tpu.dma_semaphore, #tpu.memory_space<semaphore_mem>>, %arg15: memref<!tpu.dma_semaphore, #tpu.memory_space<semaphore_mem>>, %arg16: memref<!tpu.dma_semaphore, #tpu.memory_space<semaphore_mem>>, %arg17: memref<!tpu.dma_semaphore, #tpu.memory_space<semaphore_mem>>, %arg18: memref<!tpu.dma_semaphore, #tpu.memory_space<semaphore_mem>>, %arg19: memref<!tpu.dma_semaphore, #tpu.memory_space<semaphore_mem>>, %arg20: memref<!tpu.dma_semaphore, #tpu.memory_space<semaphore_mem>>, %arg21: memref<!tpu.dma_semaphore, #tpu.memory_space<semaphore_mem>>, %arg22: memref<!tpu.dma_semaphore, #tpu.memory_space<semaphore_mem>>, %arg23: memref<!tpu.dma_semaphore, #tpu.memory_space<semaphore_mem>>) attributes {dimension_semantics = [#tpu.dimension_semantics<core_parallel>, #tpu.dimension_semantics<subcore_parallel>], iteration_bounds = array<i64: 2, 16>, scalar_prefetch = 0 : i64, scratch_operands = 19 : i64, tpu.core_type = #tpu.core_type<sc_vector_subcore>, window_params = [{transform_indices = #map}, {transform_indices = #map}, {transform_indices = #map}]} {
    %mul3A = arith.constant 2 : i32
    %mul3A_0 = arith.muli %arg1, %mul3A : i32
    %add3A = arith.addi %mul3A_0, %arg0 : i32
    %mul3A_1 = arith.constant 256 : i32
    %mul3A_2 = arith.muli %add3A, %mul3A_1 : i32
    %jit3A = arith.constant 8 : i32
    %div3A = arith.divsi %add3A, %jit3A : i32
    %sign3A = arith.constant 0 : i32
    %sign3A_3 = arith.cmpi sgt, %add3A, %sign3A : i32
    %sign3A_4 = arith.extui %sign3A_3 : i1 to i32
    %sign3A_5 = arith.constant 0 : i32
    %sign3A_6 = arith.cmpi slt, %add3A, %sign3A_5 : i32
    %sign3A_7 = arith.extui %sign3A_6 : i1 to i32
    %sign3A_8 = arith.subi %sign3A_4, %sign3A_7 : i32
    %sign3A_9 = arith.constant 0 : i32
    %sign3A_10 = arith.cmpi sgt, %jit3A, %sign3A_9 : i32
    %sign3A_11 = arith.extui %sign3A_10 : i1 to i32
    %sign3A_12 = arith.constant 0 : i32
    %sign3A_13 = arith.cmpi slt, %jit3A, %sign3A_12 : i32
    %sign3A_14 = arith.extui %sign3A_13 : i1 to i32
    %sign3A_15 = arith.subi %sign3A_11, %sign3A_14 : i32
    %ne3A = arith.cmpi ne, %sign3A_8, %sign3A_15 : i32
    %rem3A = arith.remsi %add3A, %jit3A : i32
    %ne3A_16 = arith.constant 0 : i32
    %ne3A_17 = arith.cmpi ne, %rem3A, %ne3A_16 : i32
    %and3A = arith.andi %ne3A, %ne3A_17 : i1
    %sub3A = arith.constant 1 : i32
    %sub3A_18 = arith.subi %div3A, %sub3A : i32
    %select_n3A = arith.select %and3A, %sub3A_18, %div3A : i32
    %jit3A_19 = arith.constant 8 : i32
    %eq3A = arith.constant 0 : i32
    %eq3A_20 = arith.cmpi eq, %jit3A_19, %eq3A : i32
    %jit3A_21 = arith.constant 1 : i32
    %select_n3A_22 = arith.select %eq3A_20, %jit3A_21, %jit3A_19 : i32
    %rem3A_23 = arith.remsi %add3A, %select_n3A_22 : i32
    %ne3A_24 = arith.constant 0 : i32
    %ne3A_25 = arith.cmpi ne, %rem3A_23, %ne3A_24 : i32
    %lt3A = arith.constant 0 : i32
    %lt3A_26 = arith.cmpi slt, %rem3A_23, %lt3A : i32
    %lt3A_27 = arith.constant 0 : i32
    %lt3A_28 = arith.cmpi slt, %select_n3A_22, %lt3A_27 : i32
    %ne3A_29 = arith.xori %lt3A_26, %lt3A_28 : i1
    %and3A_30 = arith.andi %ne3A_29, %ne3A_25 : i1
    %add3A_31 = arith.addi %rem3A_23, %select_n3A_22 : i32
    %select_n3A_32 = arith.select %and3A_30, %add3A_31, %rem3A_23 : i32
    %mul3A_33 = arith.constant 256 : i32
    %mul3A_34 = arith.muli %select_n3A_32, %mul3A_33 : i32
    "tpu.region"() ({
      %run_scoped3A = tpu.sem_alloc : memref<!tpu.dma_semaphore, #tpu.memory_space<semaphore_mem>>
      %dma_start3A_353 = tpu.memref_slice %arg2[%select_n3A, %mul3A_34] : memref<4x2048xi32, #tpu.memory_space<hbm>> -> memref<1x256xi32, #tpu.memory_space<hbm>>
      %dma_start3A_354 = tpu.memref_squeeze %dma_start3A_353 : memref<1x256xi32, #tpu.memory_space<hbm>> -> memref<256xi32, #tpu.memory_space<hbm>>
      %dma_start3A_355 = tpu.memref_slice %arg2[%select_n3A, %mul3A_34] : memref<4x2048xi32, #tpu.memory_space<hbm>> -> memref<1x256xi32, #tpu.memory_space<hbm>>
      %dma_start3A_356 = tpu.memref_squeeze %dma_start3A_355 : memref<1x256xi32, #tpu.memory_space<hbm>> -> memref<256xi32, #tpu.memory_space<hbm>>
      tpu.enqueue_dma source(%dma_start3A_356 : memref<256xi32, #tpu.memory_space<hbm>>) target(%arg5 : memref<256xi32, #tpu.memory_space<vmem>>) target_semaphore(%run_scoped3A : memref<!tpu.dma_semaphore, #tpu.memory_space<semaphore_mem>>)
      %dma_wait3A_357 = tpu.memref_slice %arg2[%select_n3A, %mul3A_34] : memref<4x2048xi32, #tpu.memory_space<hbm>> -> memref<1x256xi32, #tpu.memory_space<hbm>>
      %dma_wait3A_358 = tpu.memref_squeeze %dma_wait3A_357 : memref<1x256xi32, #tpu.memory_space<hbm>> -> memref<256xi32, #tpu.memory_space<hbm>>
      %dma_wait3A_359 = tpu.memref_slice %arg2[%select_n3A, %mul3A_34] : memref<4x2048xi32, #tpu.memory_space<hbm>> -> memref<1x256xi32, #tpu.memory_space<hbm>>
      %dma_wait3A_360 = tpu.memref_squeeze %dma_wait3A_359 : memref<1x256xi32, #tpu.memory_space<hbm>> -> memref<256xi32, #tpu.memory_space<hbm>>
      tpu.wait_dma2 semaphore(%run_scoped3A : memref<!tpu.dma_semaphore, #tpu.memory_space<semaphore_mem>>) src(%dma_wait3A_360 : memref<256xi32, #tpu.memory_space<hbm>>) dst(%arg5 : memref<256xi32, #tpu.memory_space<vmem>>)
      tpu.yield
    }) : () -> ()
    %dma_start3A = arith.constant 0 : i32
    %dma_start3A_35 = tpu.memref_slice %arg5[%dma_start3A] : memref<256xi32, #tpu.memory_space<vmem>> -> memref<16xi32, #tpu.memory_space<vmem>>
    %dma_start3A_36 = arith.constant 0 : i32
    %dma_start3A_37 = arith.constant 0 : i32
    %dma_start3A_38 = tpu.memref_slice %arg3[%dma_start3A_36, %dma_start3A_37] : memref<100000x1024xf32, #tpu.memory_space<hbm>> -> memref<100000x1024xf32, #tpu.memory_space<hbm>>
    tpu.enqueue_indirect_dma source(%dma_start3A_38 : memref<100000x1024xf32, #tpu.memory_space<hbm>>) target(%arg6 : memref<16x1024xf32, #tpu.memory_space<vmem>>) offsets(%dma_start3A_35 : memref<16xi32, #tpu.memory_space<vmem>>) semaphore(%arg12 : memref<!tpu.dma_semaphore, #tpu.memory_space<semaphore_mem>>)
    %dma_start3A_39 = arith.constant 16 : i32
    %dma_start3A_40 = tpu.memref_slice %arg5[%dma_start3A_39] : memref<256xi32, #tpu.memory_space<vmem>> -> memref<16xi32, #tpu.memory_space<vmem>>
    %dma_start3A_41 = arith.constant 0 : i32
    %dma_start3A_42 = arith.constant 0 : i32
    %dma_start3A_43 = tpu.memref_slice %arg3[%dma_start3A_41, %dma_start3A_42] : memref<100000x1024xf32, #tpu.memory_space<hbm>> -> memref<100000x1024xf32, #tpu.memory_space<hbm>>
    tpu.enqueue_indirect_dma source(%dma_start3A_43 : memref<100000x1024xf32, #tpu.memory_space<hbm>>) target(%arg7 : memref<16x1024xf32, #tpu.memory_space<vmem>>) offsets(%dma_start3A_40 : memref<16xi32, #tpu.memory_space<vmem>>) semaphore(%arg13 : memref<!tpu.dma_semaphore, #tpu.memory_space<semaphore_mem>>)
    %dma_start3A_44 = arith.constant 32 : i32
    %dma_start3A_45 = tpu.memref_slice %arg5[%dma_start3A_44] : memref<256xi32, #tpu.memory_space<vmem>> -> memref<16xi32, #tpu.memory_space<vmem>>
    %dma_start3A_46 = arith.constant 0 : i32
    %dma_start3A_47 = arith.constant 0 : i32
    %dma_start3A_48 = tpu.memref_slice %arg3[%dma_start3A_46, %dma_start3A_47] : memref<100000x1024xf32, #tpu.memory_space<hbm>> -> memref<100000x1024xf32, #tpu.memory_space<hbm>>
    tpu.enqueue_indirect_dma source(%dma_start3A_48 : memref<100000x1024xf32, #tpu.memory_space<hbm>>) target(%arg8 : memref<16x1024xf32, #tpu.memory_space<vmem>>) offsets(%dma_start3A_45 : memref<16xi32, #tpu.memory_space<vmem>>) semaphore(%arg14 : memref<!tpu.dma_semaphore, #tpu.memory_space<semaphore_mem>>)
    %dma_start3A_49 = arith.constant 48 : i32
    %dma_start3A_50 = tpu.memref_slice %arg5[%dma_start3A_49] : memref<256xi32, #tpu.memory_space<vmem>> -> memref<16xi32, #tpu.memory_space<vmem>>
    %dma_start3A_51 = arith.constant 0 : i32
    %dma_start3A_52 = arith.constant 0 : i32
    %dma_start3A_53 = tpu.memref_slice %arg3[%dma_start3A_51, %dma_start3A_52] : memref<100000x1024xf32, #tpu.memory_space<hbm>> -> memref<100000x1024xf32, #tpu.memory_space<hbm>>
    tpu.enqueue_indirect_dma source(%dma_start3A_53 : memref<100000x1024xf32, #tpu.memory_space<hbm>>) target(%arg9 : memref<16x1024xf32, #tpu.memory_space<vmem>>) offsets(%dma_start3A_50 : memref<16xi32, #tpu.memory_space<vmem>>) semaphore(%arg15 : memref<!tpu.dma_semaphore, #tpu.memory_space<semaphore_mem>>)
    %dma_start3A_54 = arith.constant 64 : i32
    %dma_start3A_55 = tpu.memref_slice %arg5[%dma_start3A_54] : memref<256xi32, #tpu.memory_space<vmem>> -> memref<16xi32, #tpu.memory_space<vmem>>
    %dma_start3A_56 = arith.constant 0 : i32
    %dma_start3A_57 = arith.constant 0 : i32
    %dma_start3A_58 = tpu.memref_slice %arg3[%dma_start3A_56, %dma_start3A_57] : memref<100000x1024xf32, #tpu.memory_space<hbm>> -> memref<100000x1024xf32, #tpu.memory_space<hbm>>
    tpu.enqueue_indirect_dma source(%dma_start3A_58 : memref<100000x1024xf32, #tpu.memory_space<hbm>>) target(%arg10 : memref<16x1024xf32, #tpu.memory_space<vmem>>) offsets(%dma_start3A_55 : memref<16xi32, #tpu.memory_space<vmem>>) semaphore(%arg16 : memref<!tpu.dma_semaphore, #tpu.memory_space<semaphore_mem>>)
    %dma_start3A_59 = arith.constant 80 : i32
    %dma_start3A_60 = tpu.memref_slice %arg5[%dma_start3A_59] : memref<256xi32, #tpu.memory_space<vmem>> -> memref<16xi32, #tpu.memory_space<vmem>>
    %dma_start3A_61 = arith.constant 0 : i32
    %dma_start3A_62 = arith.constant 0 : i32
    %dma_start3A_63 = tpu.memref_slice %arg3[%dma_start3A_61, %dma_start3A_62] : memref<100000x1024xf32, #tpu.memory_space<hbm>> -> memref<100000x1024xf32, #tpu.memory_space<hbm>>
    tpu.enqueue_indirect_dma source(%dma_start3A_63 : memref<100000x1024xf32, #tpu.memory_space<hbm>>) target(%arg11 : memref<16x1024xf32, #tpu.memory_space<vmem>>) offsets(%dma_start3A_60 : memref<16xi32, #tpu.memory_space<vmem>>) semaphore(%arg17 : memref<!tpu.dma_semaphore, #tpu.memory_space<semaphore_mem>>)
    %dma_wait3A = arith.constant 0 : i32
    %dma_wait3A_64 = tpu.memref_slice %arg5[%dma_wait3A] : memref<256xi32, #tpu.memory_space<vmem>> -> memref<16xi32, #tpu.memory_space<vmem>>
    %dma_wait3A_65 = arith.constant 0 : i32
    %dma_wait3A_66 = arith.constant 0 : i32
    %dma_wait3A_67 = tpu.memref_slice %arg3[%dma_wait3A_65, %dma_wait3A_66] : memref<100000x1024xf32, #tpu.memory_space<hbm>> -> memref<100000x1024xf32, #tpu.memory_space<hbm>>
    tpu.wait_indirect_dma semaphore(%arg12 : memref<!tpu.dma_semaphore, #tpu.memory_space<semaphore_mem>>) src(%dma_wait3A_67 : memref<100000x1024xf32, #tpu.memory_space<hbm>>) dst(%arg6 : memref<16x1024xf32, #tpu.memory_space<vmem>>)
    %add3A_68 = arith.constant 0 : i32
    %add3A_69 = arith.addi %mul3A_2, %add3A_68 : i32
    %dma_start3A_70 = arith.constant 0 : i32
    %dma_start3A_71 = tpu.memref_slice %arg4[%add3A_69, %dma_start3A_70] : memref<8192x1024xf32, #tpu.memory_space<hbm>> -> memref<16x1024xf32, #tpu.memory_space<hbm>>
    %dma_start3A_72 = arith.constant 0 : i32
    %dma_start3A_73 = tpu.memref_slice %arg4[%add3A_69, %dma_start3A_72] : memref<8192x1024xf32, #tpu.memory_space<hbm>> -> memref<16x1024xf32, #tpu.memory_space<hbm>>
    tpu.enqueue_dma source(%arg6 : memref<16x1024xf32, #tpu.memory_space<vmem>>) target(%dma_start3A_73 : memref<16x1024xf32, #tpu.memory_space<hbm>>) target_semaphore(%arg18 : memref<!tpu.dma_semaphore, #tpu.memory_space<semaphore_mem>>)
    %dma_wait3A_74 = arith.constant 16 : i32
    %dma_wait3A_75 = tpu.memref_slice %arg5[%dma_wait3A_74] : memref<256xi32, #tpu.memory_space<vmem>> -> memref<16xi32, #tpu.memory_space<vmem>>
    %dma_wait3A_76 = arith.constant 0 : i32
    %dma_wait3A_77 = arith.constant 0 : i32
    %dma_wait3A_78 = tpu.memref_slice %arg3[%dma_wait3A_76, %dma_wait3A_77] : memref<100000x1024xf32, #tpu.memory_space<hbm>> -> memref<100000x1024xf32, #tpu.memory_space<hbm>>
    tpu.wait_indirect_dma semaphore(%arg13 : memref<!tpu.dma_semaphore, #tpu.memory_space<semaphore_mem>>) src(%dma_wait3A_78 : memref<100000x1024xf32, #tpu.memory_space<hbm>>) dst(%arg7 : memref<16x1024xf32, #tpu.memory_space<vmem>>)
    %add3A_79 = arith.constant 16 : i32
    %add3A_80 = arith.addi %mul3A_2, %add3A_79 : i32
    %dma_start3A_81 = arith.constant 0 : i32
    %dma_start3A_82 = tpu.memref_slice %arg4[%add3A_80, %dma_start3A_81] : memref<8192x1024xf32, #tpu.memory_space<hbm>> -> memref<16x1024xf32, #tpu.memory_space<hbm>>
    %dma_start3A_83 = arith.constant 0 : i32
    %dma_start3A_84 = tpu.memref_slice %arg4[%add3A_80, %dma_start3A_83] : memref<8192x1024xf32, #tpu.memory_space<hbm>> -> memref<16x1024xf32, #tpu.memory_space<hbm>>
    tpu.enqueue_dma source(%arg7 : memref<16x1024xf32, #tpu.memory_space<vmem>>) target(%dma_start3A_84 : memref<16x1024xf32, #tpu.memory_space<hbm>>) target_semaphore(%arg19 : memref<!tpu.dma_semaphore, #tpu.memory_space<semaphore_mem>>)
    %dma_wait3A_85 = arith.constant 0 : i32
    %dma_wait3A_86 = tpu.memref_slice %arg4[%add3A_69, %dma_wait3A_85] : memref<8192x1024xf32, #tpu.memory_space<hbm>> -> memref<16x1024xf32, #tpu.memory_space<hbm>>
    %dma_wait3A_87 = arith.constant 0 : i32
    %dma_wait3A_88 = tpu.memref_slice %arg4[%add3A_69, %dma_wait3A_87] : memref<8192x1024xf32, #tpu.memory_space<hbm>> -> memref<16x1024xf32, #tpu.memory_space<hbm>>
    tpu.wait_dma2 semaphore(%arg18 : memref<!tpu.dma_semaphore, #tpu.memory_space<semaphore_mem>>) src(%arg6 : memref<16x1024xf32, #tpu.memory_space<vmem>>) dst(%dma_wait3A_88 : memref<16x1024xf32, #tpu.memory_space<hbm>>)
    %dma_start3A_89 = arith.constant 96 : i32
    %dma_start3A_90 = tpu.memref_slice %arg5[%dma_start3A_89] : memref<256xi32, #tpu.memory_space<vmem>> -> memref<16xi32, #tpu.memory_space<vmem>>
    %dma_start3A_91 = arith.constant 0 : i32
    %dma_start3A_92 = arith.constant 0 : i32
    %dma_start3A_93 = tpu.memref_slice %arg3[%dma_start3A_91, %dma_start3A_92] : memref<100000x1024xf32, #tpu.memory_space<hbm>> -> memref<100000x1024xf32, #tpu.memory_space<hbm>>
    tpu.enqueue_indirect_dma source(%dma_start3A_93 : memref<100000x1024xf32, #tpu.memory_space<hbm>>) target(%arg6 : memref<16x1024xf32, #tpu.memory_space<vmem>>) offsets(%dma_start3A_90 : memref<16xi32, #tpu.memory_space<vmem>>) semaphore(%arg12 : memref<!tpu.dma_semaphore, #tpu.memory_space<semaphore_mem>>)
    %dma_wait3A_94 = arith.constant 32 : i32
    %dma_wait3A_95 = tpu.memref_slice %arg5[%dma_wait3A_94] : memref<256xi32, #tpu.memory_space<vmem>> -> memref<16xi32, #tpu.memory_space<vmem>>
    %dma_wait3A_96 = arith.constant 0 : i32
    %dma_wait3A_97 = arith.constant 0 : i32
    %dma_wait3A_98 = tpu.memref_slice %arg3[%dma_wait3A_96, %dma_wait3A_97] : memref<100000x1024xf32, #tpu.memory_space<hbm>> -> memref<100000x1024xf32, #tpu.memory_space<hbm>>
    tpu.wait_indirect_dma semaphore(%arg14 : memref<!tpu.dma_semaphore, #tpu.memory_space<semaphore_mem>>) src(%dma_wait3A_98 : memref<100000x1024xf32, #tpu.memory_space<hbm>>) dst(%arg8 : memref<16x1024xf32, #tpu.memory_space<vmem>>)
    %add3A_99 = arith.constant 32 : i32
    %add3A_100 = arith.addi %mul3A_2, %add3A_99 : i32
    %dma_start3A_101 = arith.constant 0 : i32
    %dma_start3A_102 = tpu.memref_slice %arg4[%add3A_100, %dma_start3A_101] : memref<8192x1024xf32, #tpu.memory_space<hbm>> -> memref<16x1024xf32, #tpu.memory_space<hbm>>
    %dma_start3A_103 = arith.constant 0 : i32
    %dma_start3A_104 = tpu.memref_slice %arg4[%add3A_100, %dma_start3A_103] : memref<8192x1024xf32, #tpu.memory_space<hbm>> -> memref<16x1024xf32, #tpu.memory_space<hbm>>
    tpu.enqueue_dma source(%arg8 : memref<16x1024xf32, #tpu.memory_space<vmem>>) target(%dma_start3A_104 : memref<16x1024xf32, #tpu.memory_space<hbm>>) target_semaphore(%arg20 : memref<!tpu.dma_semaphore, #tpu.memory_space<semaphore_mem>>)
    %dma_wait3A_105 = arith.constant 0 : i32
    %dma_wait3A_106 = tpu.memref_slice %arg4[%add3A_80, %dma_wait3A_105] : memref<8192x1024xf32, #tpu.memory_space<hbm>> -> memref<16x1024xf32, #tpu.memory_space<hbm>>
    %dma_wait3A_107 = arith.constant 0 : i32
    %dma_wait3A_108 = tpu.memref_slice %arg4[%add3A_80, %dma_wait3A_107] : memref<8192x1024xf32, #tpu.memory_space<hbm>> -> memref<16x1024xf32, #tpu.memory_space<hbm>>
    tpu.wait_dma2 semaphore(%arg19 : memref<!tpu.dma_semaphore, #tpu.memory_space<semaphore_mem>>) src(%arg7 : memref<16x1024xf32, #tpu.memory_space<vmem>>) dst(%dma_wait3A_108 : memref<16x1024xf32, #tpu.memory_space<hbm>>)
    %dma_start3A_109 = arith.constant 112 : i32
    %dma_start3A_110 = tpu.memref_slice %arg5[%dma_start3A_109] : memref<256xi32, #tpu.memory_space<vmem>> -> memref<16xi32, #tpu.memory_space<vmem>>
    %dma_start3A_111 = arith.constant 0 : i32
    %dma_start3A_112 = arith.constant 0 : i32
    %dma_start3A_113 = tpu.memref_slice %arg3[%dma_start3A_111, %dma_start3A_112] : memref<100000x1024xf32, #tpu.memory_space<hbm>> -> memref<100000x1024xf32, #tpu.memory_space<hbm>>
    tpu.enqueue_indirect_dma source(%dma_start3A_113 : memref<100000x1024xf32, #tpu.memory_space<hbm>>) target(%arg7 : memref<16x1024xf32, #tpu.memory_space<vmem>>) offsets(%dma_start3A_110 : memref<16xi32, #tpu.memory_space<vmem>>) semaphore(%arg13 : memref<!tpu.dma_semaphore, #tpu.memory_space<semaphore_mem>>)
    %dma_wait3A_114 = arith.constant 48 : i32
    %dma_wait3A_115 = tpu.memref_slice %arg5[%dma_wait3A_114] : memref<256xi32, #tpu.memory_space<vmem>> -> memref<16xi32, #tpu.memory_space<vmem>>
    %dma_wait3A_116 = arith.constant 0 : i32
    %dma_wait3A_117 = arith.constant 0 : i32
    %dma_wait3A_118 = tpu.memref_slice %arg3[%dma_wait3A_116, %dma_wait3A_117] : memref<100000x1024xf32, #tpu.memory_space<hbm>> -> memref<100000x1024xf32, #tpu.memory_space<hbm>>
    tpu.wait_indirect_dma semaphore(%arg15 : memref<!tpu.dma_semaphore, #tpu.memory_space<semaphore_mem>>) src(%dma_wait3A_118 : memref<100000x1024xf32, #tpu.memory_space<hbm>>) dst(%arg9 : memref<16x1024xf32, #tpu.memory_space<vmem>>)
    %add3A_119 = arith.constant 48 : i32
    %add3A_120 = arith.addi %mul3A_2, %add3A_119 : i32
    %dma_start3A_121 = arith.constant 0 : i32
    %dma_start3A_122 = tpu.memref_slice %arg4[%add3A_120, %dma_start3A_121] : memref<8192x1024xf32, #tpu.memory_space<hbm>> -> memref<16x1024xf32, #tpu.memory_space<hbm>>
    %dma_start3A_123 = arith.constant 0 : i32
    %dma_start3A_124 = tpu.memref_slice %arg4[%add3A_120, %dma_start3A_123] : memref<8192x1024xf32, #tpu.memory_space<hbm>> -> memref<16x1024xf32, #tpu.memory_space<hbm>>
    tpu.enqueue_dma source(%arg9 : memref<16x1024xf32, #tpu.memory_space<vmem>>) target(%dma_start3A_124 : memref<16x1024xf32, #tpu.memory_space<hbm>>) target_semaphore(%arg21 : memref<!tpu.dma_semaphore, #tpu.memory_space<semaphore_mem>>)
    %dma_wait3A_125 = arith.constant 0 : i32
    %dma_wait3A_126 = tpu.memref_slice %arg4[%add3A_100, %dma_wait3A_125] : memref<8192x1024xf32, #tpu.memory_space<hbm>> -> memref<16x1024xf32, #tpu.memory_space<hbm>>
    %dma_wait3A_127 = arith.constant 0 : i32
    %dma_wait3A_128 = tpu.memref_slice %arg4[%add3A_100, %dma_wait3A_127] : memref<8192x1024xf32, #tpu.memory_space<hbm>> -> memref<16x1024xf32, #tpu.memory_space<hbm>>
    tpu.wait_dma2 semaphore(%arg20 : memref<!tpu.dma_semaphore, #tpu.memory_space<semaphore_mem>>) src(%arg8 : memref<16x1024xf32, #tpu.memory_space<vmem>>) dst(%dma_wait3A_128 : memref<16x1024xf32, #tpu.memory_space<hbm>>)
    %dma_start3A_129 = arith.constant 128 : i32
    %dma_start3A_130 = tpu.memref_slice %arg5[%dma_start3A_129] : memref<256xi32, #tpu.memory_space<vmem>> -> memref<16xi32, #tpu.memory_space<vmem>>
    %dma_start3A_131 = arith.constant 0 : i32
    %dma_start3A_132 = arith.constant 0 : i32
    %dma_start3A_133 = tpu.memref_slice %arg3[%dma_start3A_131, %dma_start3A_132] : memref<100000x1024xf32, #tpu.memory_space<hbm>> -> memref<100000x1024xf32, #tpu.memory_space<hbm>>
    tpu.enqueue_indirect_dma source(%dma_start3A_133 : memref<100000x1024xf32, #tpu.memory_space<hbm>>) target(%arg8 : memref<16x1024xf32, #tpu.memory_space<vmem>>) offsets(%dma_start3A_130 : memref<16xi32, #tpu.memory_space<vmem>>) semaphore(%arg14 : memref<!tpu.dma_semaphore, #tpu.memory_space<semaphore_mem>>)
    %dma_wait3A_134 = arith.constant 64 : i32
    %dma_wait3A_135 = tpu.memref_slice %arg5[%dma_wait3A_134] : memref<256xi32, #tpu.memory_space<vmem>> -> memref<16xi32, #tpu.memory_space<vmem>>
    %dma_wait3A_136 = arith.constant 0 : i32
    %dma_wait3A_137 = arith.constant 0 : i32
    %dma_wait3A_138 = tpu.memref_slice %arg3[%dma_wait3A_136, %dma_wait3A_137] : memref<100000x1024xf32, #tpu.memory_space<hbm>> -> memref<100000x1024xf32, #tpu.memory_space<hbm>>
    tpu.wait_indirect_dma semaphore(%arg16 : memref<!tpu.dma_semaphore, #tpu.memory_space<semaphore_mem>>) src(%dma_wait3A_138 : memref<100000x1024xf32, #tpu.memory_space<hbm>>) dst(%arg10 : memref<16x1024xf32, #tpu.memory_space<vmem>>)
    %add3A_139 = arith.constant 64 : i32
    %add3A_140 = arith.addi %mul3A_2, %add3A_139 : i32
    %dma_start3A_141 = arith.constant 0 : i32
    %dma_start3A_142 = tpu.memref_slice %arg4[%add3A_140, %dma_start3A_141] : memref<8192x1024xf32, #tpu.memory_space<hbm>> -> memref<16x1024xf32, #tpu.memory_space<hbm>>
    %dma_start3A_143 = arith.constant 0 : i32
    %dma_start3A_144 = tpu.memref_slice %arg4[%add3A_140, %dma_start3A_143] : memref<8192x1024xf32, #tpu.memory_space<hbm>> -> memref<16x1024xf32, #tpu.memory_space<hbm>>
    tpu.enqueue_dma source(%arg10 : memref<16x1024xf32, #tpu.memory_space<vmem>>) target(%dma_start3A_144 : memref<16x1024xf32, #tpu.memory_space<hbm>>) target_semaphore(%arg22 : memref<!tpu.dma_semaphore, #tpu.memory_space<semaphore_mem>>)
    %dma_wait3A_145 = arith.constant 0 : i32
    %dma_wait3A_146 = tpu.memref_slice %arg4[%add3A_120, %dma_wait3A_145] : memref<8192x1024xf32, #tpu.memory_space<hbm>> -> memref<16x1024xf32, #tpu.memory_space<hbm>>
    %dma_wait3A_147 = arith.constant 0 : i32
    %dma_wait3A_148 = tpu.memref_slice %arg4[%add3A_120, %dma_wait3A_147] : memref<8192x1024xf32, #tpu.memory_space<hbm>> -> memref<16x1024xf32, #tpu.memory_space<hbm>>
    tpu.wait_dma2 semaphore(%arg21 : memref<!tpu.dma_semaphore, #tpu.memory_space<semaphore_mem>>) src(%arg9 : memref<16x1024xf32, #tpu.memory_space<vmem>>) dst(%dma_wait3A_148 : memref<16x1024xf32, #tpu.memory_space<hbm>>)
    %dma_start3A_149 = arith.constant 144 : i32
    %dma_start3A_150 = tpu.memref_slice %arg5[%dma_start3A_149] : memref<256xi32, #tpu.memory_space<vmem>> -> memref<16xi32, #tpu.memory_space<vmem>>
    %dma_start3A_151 = arith.constant 0 : i32
    %dma_start3A_152 = arith.constant 0 : i32
    %dma_start3A_153 = tpu.memref_slice %arg3[%dma_start3A_151, %dma_start3A_152] : memref<100000x1024xf32, #tpu.memory_space<hbm>> -> memref<100000x1024xf32, #tpu.memory_space<hbm>>
    tpu.enqueue_indirect_dma source(%dma_start3A_153 : memref<100000x1024xf32, #tpu.memory_space<hbm>>) target(%arg9 : memref<16x1024xf32, #tpu.memory_space<vmem>>) offsets(%dma_start3A_150 : memref<16xi32, #tpu.memory_space<vmem>>) semaphore(%arg15 : memref<!tpu.dma_semaphore, #tpu.memory_space<semaphore_mem>>)
    %dma_wait3A_154 = arith.constant 80 : i32
    %dma_wait3A_155 = tpu.memref_slice %arg5[%dma_wait3A_154] : memref<256xi32, #tpu.memory_space<vmem>> -> memref<16xi32, #tpu.memory_space<vmem>>
    %dma_wait3A_156 = arith.constant 0 : i32
    %dma_wait3A_157 = arith.constant 0 : i32
    %dma_wait3A_158 = tpu.memref_slice %arg3[%dma_wait3A_156, %dma_wait3A_157] : memref<100000x1024xf32, #tpu.memory_space<hbm>> -> memref<100000x1024xf32, #tpu.memory_space<hbm>>
    tpu.wait_indirect_dma semaphore(%arg17 : memref<!tpu.dma_semaphore, #tpu.memory_space<semaphore_mem>>) src(%dma_wait3A_158 : memref<100000x1024xf32, #tpu.memory_space<hbm>>) dst(%arg11 : memref<16x1024xf32, #tpu.memory_space<vmem>>)
    %add3A_159 = arith.constant 80 : i32
    %add3A_160 = arith.addi %mul3A_2, %add3A_159 : i32
    %dma_start3A_161 = arith.constant 0 : i32
    %dma_start3A_162 = tpu.memref_slice %arg4[%add3A_160, %dma_start3A_161] : memref<8192x1024xf32, #tpu.memory_space<hbm>> -> memref<16x1024xf32, #tpu.memory_space<hbm>>
    %dma_start3A_163 = arith.constant 0 : i32
    %dma_start3A_164 = tpu.memref_slice %arg4[%add3A_160, %dma_start3A_163] : memref<8192x1024xf32, #tpu.memory_space<hbm>> -> memref<16x1024xf32, #tpu.memory_space<hbm>>
    tpu.enqueue_dma source(%arg11 : memref<16x1024xf32, #tpu.memory_space<vmem>>) target(%dma_start3A_164 : memref<16x1024xf32, #tpu.memory_space<hbm>>) target_semaphore(%arg23 : memref<!tpu.dma_semaphore, #tpu.memory_space<semaphore_mem>>)
    %dma_wait3A_165 = arith.constant 0 : i32
    %dma_wait3A_166 = tpu.memref_slice %arg4[%add3A_140, %dma_wait3A_165] : memref<8192x1024xf32, #tpu.memory_space<hbm>> -> memref<16x1024xf32, #tpu.memory_space<hbm>>
    %dma_wait3A_167 = arith.constant 0 : i32
    %dma_wait3A_168 = tpu.memref_slice %arg4[%add3A_140, %dma_wait3A_167] : memref<8192x1024xf32, #tpu.memory_space<hbm>> -> memref<16x1024xf32, #tpu.memory_space<hbm>>
    tpu.wait_dma2 semaphore(%arg22 : memref<!tpu.dma_semaphore, #tpu.memory_space<semaphore_mem>>) src(%arg10 : memref<16x1024xf32, #tpu.memory_space<vmem>>) dst(%dma_wait3A_168 : memref<16x1024xf32, #tpu.memory_space<hbm>>)
    %dma_start3A_169 = arith.constant 160 : i32
    %dma_start3A_170 = tpu.memref_slice %arg5[%dma_start3A_169] : memref<256xi32, #tpu.memory_space<vmem>> -> memref<16xi32, #tpu.memory_space<vmem>>
    %dma_start3A_171 = arith.constant 0 : i32
    %dma_start3A_172 = arith.constant 0 : i32
    %dma_start3A_173 = tpu.memref_slice %arg3[%dma_start3A_171, %dma_start3A_172] : memref<100000x1024xf32, #tpu.memory_space<hbm>> -> memref<100000x1024xf32, #tpu.memory_space<hbm>>
    tpu.enqueue_indirect_dma source(%dma_start3A_173 : memref<100000x1024xf32, #tpu.memory_space<hbm>>) target(%arg10 : memref<16x1024xf32, #tpu.memory_space<vmem>>) offsets(%dma_start3A_170 : memref<16xi32, #tpu.memory_space<vmem>>) semaphore(%arg16 : memref<!tpu.dma_semaphore, #tpu.memory_space<semaphore_mem>>)
    %dma_wait3A_174 = arith.constant 96 : i32
    %dma_wait3A_175 = tpu.memref_slice %arg5[%dma_wait3A_174] : memref<256xi32, #tpu.memory_space<vmem>> -> memref<16xi32, #tpu.memory_space<vmem>>
    %dma_wait3A_176 = arith.constant 0 : i32
    %dma_wait3A_177 = arith.constant 0 : i32
    %dma_wait3A_178 = tpu.memref_slice %arg3[%dma_wait3A_176, %dma_wait3A_177] : memref<100000x1024xf32, #tpu.memory_space<hbm>> -> memref<100000x1024xf32, #tpu.memory_space<hbm>>
    tpu.wait_indirect_dma semaphore(%arg12 : memref<!tpu.dma_semaphore, #tpu.memory_space<semaphore_mem>>) src(%dma_wait3A_178 : memref<100000x1024xf32, #tpu.memory_space<hbm>>) dst(%arg6 : memref<16x1024xf32, #tpu.memory_space<vmem>>)
    %add3A_179 = arith.constant 96 : i32
    %add3A_180 = arith.addi %mul3A_2, %add3A_179 : i32
    %dma_start3A_181 = arith.constant 0 : i32
    %dma_start3A_182 = tpu.memref_slice %arg4[%add3A_180, %dma_start3A_181] : memref<8192x1024xf32, #tpu.memory_space<hbm>> -> memref<16x1024xf32, #tpu.memory_space<hbm>>
    %dma_start3A_183 = arith.constant 0 : i32
    %dma_start3A_184 = tpu.memref_slice %arg4[%add3A_180, %dma_start3A_183] : memref<8192x1024xf32, #tpu.memory_space<hbm>> -> memref<16x1024xf32, #tpu.memory_space<hbm>>
    tpu.enqueue_dma source(%arg6 : memref<16x1024xf32, #tpu.memory_space<vmem>>) target(%dma_start3A_184 : memref<16x1024xf32, #tpu.memory_space<hbm>>) target_semaphore(%arg18 : memref<!tpu.dma_semaphore, #tpu.memory_space<semaphore_mem>>)
    %dma_wait3A_185 = arith.constant 0 : i32
    %dma_wait3A_186 = tpu.memref_slice %arg4[%add3A_160, %dma_wait3A_185] : memref<8192x1024xf32, #tpu.memory_space<hbm>> -> memref<16x1024xf32, #tpu.memory_space<hbm>>
    %dma_wait3A_187 = arith.constant 0 : i32
    %dma_wait3A_188 = tpu.memref_slice %arg4[%add3A_160, %dma_wait3A_187] : memref<8192x1024xf32, #tpu.memory_space<hbm>> -> memref<16x1024xf32, #tpu.memory_space<hbm>>
    tpu.wait_dma2 semaphore(%arg23 : memref<!tpu.dma_semaphore, #tpu.memory_space<semaphore_mem>>) src(%arg11 : memref<16x1024xf32, #tpu.memory_space<vmem>>) dst(%dma_wait3A_188 : memref<16x1024xf32, #tpu.memory_space<hbm>>)
    %dma_start3A_189 = arith.constant 176 : i32
    %dma_start3A_190 = tpu.memref_slice %arg5[%dma_start3A_189] : memref<256xi32, #tpu.memory_space<vmem>> -> memref<16xi32, #tpu.memory_space<vmem>>
    %dma_start3A_191 = arith.constant 0 : i32
    %dma_start3A_192 = arith.constant 0 : i32
    %dma_start3A_193 = tpu.memref_slice %arg3[%dma_start3A_191, %dma_start3A_192] : memref<100000x1024xf32, #tpu.memory_space<hbm>> -> memref<100000x1024xf32, #tpu.memory_space<hbm>>
    tpu.enqueue_indirect_dma source(%dma_start3A_193 : memref<100000x1024xf32, #tpu.memory_space<hbm>>) target(%arg11 : memref<16x1024xf32, #tpu.memory_space<vmem>>) offsets(%dma_start3A_190 : memref<16xi32, #tpu.memory_space<vmem>>) semaphore(%arg17 : memref<!tpu.dma_semaphore, #tpu.memory_space<semaphore_mem>>)
    %dma_wait3A_194 = arith.constant 112 : i32
    %dma_wait3A_195 = tpu.memref_slice %arg5[%dma_wait3A_194] : memref<256xi32, #tpu.memory_space<vmem>> -> memref<16xi32, #tpu.memory_space<vmem>>
    %dma_wait3A_196 = arith.constant 0 : i32
    %dma_wait3A_197 = arith.constant 0 : i32
    %dma_wait3A_198 = tpu.memref_slice %arg3[%dma_wait3A_196, %dma_wait3A_197] : memref<100000x1024xf32, #tpu.memory_space<hbm>> -> memref<100000x1024xf32, #tpu.memory_space<hbm>>
    tpu.wait_indirect_dma semaphore(%arg13 : memref<!tpu.dma_semaphore, #tpu.memory_space<semaphore_mem>>) src(%dma_wait3A_198 : memref<100000x1024xf32, #tpu.memory_space<hbm>>) dst(%arg7 : memref<16x1024xf32, #tpu.memory_space<vmem>>)
    %add3A_199 = arith.constant 112 : i32
    %add3A_200 = arith.addi %mul3A_2, %add3A_199 : i32
    %dma_start3A_201 = arith.constant 0 : i32
    %dma_start3A_202 = tpu.memref_slice %arg4[%add3A_200, %dma_start3A_201] : memref<8192x1024xf32, #tpu.memory_space<hbm>> -> memref<16x1024xf32, #tpu.memory_space<hbm>>
    %dma_start3A_203 = arith.constant 0 : i32
    %dma_start3A_204 = tpu.memref_slice %arg4[%add3A_200, %dma_start3A_203] : memref<8192x1024xf32, #tpu.memory_space<hbm>> -> memref<16x1024xf32, #tpu.memory_space<hbm>>
    tpu.enqueue_dma source(%arg7 : memref<16x1024xf32, #tpu.memory_space<vmem>>) target(%dma_start3A_204 : memref<16x1024xf32, #tpu.memory_space<hbm>>) target_semaphore(%arg19 : memref<!tpu.dma_semaphore, #tpu.memory_space<semaphore_mem>>)
    %dma_wait3A_205 = arith.constant 0 : i32
    %dma_wait3A_206 = tpu.memref_slice %arg4[%add3A_180, %dma_wait3A_205] : memref<8192x1024xf32, #tpu.memory_space<hbm>> -> memref<16x1024xf32, #tpu.memory_space<hbm>>
    %dma_wait3A_207 = arith.constant 0 : i32
    %dma_wait3A_208 = tpu.memref_slice %arg4[%add3A_180, %dma_wait3A_207] : memref<8192x1024xf32, #tpu.memory_space<hbm>> -> memref<16x1024xf32, #tpu.memory_space<hbm>>
    tpu.wait_dma2 semaphore(%arg18 : memref<!tpu.dma_semaphore, #tpu.memory_space<semaphore_mem>>) src(%arg6 : memref<16x1024xf32, #tpu.memory_space<vmem>>) dst(%dma_wait3A_208 : memref<16x1024xf32, #tpu.memory_space<hbm>>)
    %dma_start3A_209 = arith.constant 192 : i32
    %dma_start3A_210 = tpu.memref_slice %arg5[%dma_start3A_209] : memref<256xi32, #tpu.memory_space<vmem>> -> memref<16xi32, #tpu.memory_space<vmem>>
    %dma_start3A_211 = arith.constant 0 : i32
    %dma_start3A_212 = arith.constant 0 : i32
    %dma_start3A_213 = tpu.memref_slice %arg3[%dma_start3A_211, %dma_start3A_212] : memref<100000x1024xf32, #tpu.memory_space<hbm>> -> memref<100000x1024xf32, #tpu.memory_space<hbm>>
    tpu.enqueue_indirect_dma source(%dma_start3A_213 : memref<100000x1024xf32, #tpu.memory_space<hbm>>) target(%arg6 : memref<16x1024xf32, #tpu.memory_space<vmem>>) offsets(%dma_start3A_210 : memref<16xi32, #tpu.memory_space<vmem>>) semaphore(%arg12 : memref<!tpu.dma_semaphore, #tpu.memory_space<semaphore_mem>>)
    %dma_wait3A_214 = arith.constant 128 : i32
    %dma_wait3A_215 = tpu.memref_slice %arg5[%dma_wait3A_214] : memref<256xi32, #tpu.memory_space<vmem>> -> memref<16xi32, #tpu.memory_space<vmem>>
    %dma_wait3A_216 = arith.constant 0 : i32
    %dma_wait3A_217 = arith.constant 0 : i32
    %dma_wait3A_218 = tpu.memref_slice %arg3[%dma_wait3A_216, %dma_wait3A_217] : memref<100000x1024xf32, #tpu.memory_space<hbm>> -> memref<100000x1024xf32, #tpu.memory_space<hbm>>
    tpu.wait_indirect_dma semaphore(%arg14 : memref<!tpu.dma_semaphore, #tpu.memory_space<semaphore_mem>>) src(%dma_wait3A_218 : memref<100000x1024xf32, #tpu.memory_space<hbm>>) dst(%arg8 : memref<16x1024xf32, #tpu.memory_space<vmem>>)
    %add3A_219 = arith.constant 128 : i32
    %add3A_220 = arith.addi %mul3A_2, %add3A_219 : i32
    %dma_start3A_221 = arith.constant 0 : i32
    %dma_start3A_222 = tpu.memref_slice %arg4[%add3A_220, %dma_start3A_221] : memref<8192x1024xf32, #tpu.memory_space<hbm>> -> memref<16x1024xf32, #tpu.memory_space<hbm>>
    %dma_start3A_223 = arith.constant 0 : i32
    %dma_start3A_224 = tpu.memref_slice %arg4[%add3A_220, %dma_start3A_223] : memref<8192x1024xf32, #tpu.memory_space<hbm>> -> memref<16x1024xf32, #tpu.memory_space<hbm>>
    tpu.enqueue_dma source(%arg8 : memref<16x1024xf32, #tpu.memory_space<vmem>>) target(%dma_start3A_224 : memref<16x1024xf32, #tpu.memory_space<hbm>>) target_semaphore(%arg20 : memref<!tpu.dma_semaphore, #tpu.memory_space<semaphore_mem>>)
    %dma_wait3A_225 = arith.constant 0 : i32
    %dma_wait3A_226 = tpu.memref_slice %arg4[%add3A_200, %dma_wait3A_225] : memref<8192x1024xf32, #tpu.memory_space<hbm>> -> memref<16x1024xf32, #tpu.memory_space<hbm>>
    %dma_wait3A_227 = arith.constant 0 : i32
    %dma_wait3A_228 = tpu.memref_slice %arg4[%add3A_200, %dma_wait3A_227] : memref<8192x1024xf32, #tpu.memory_space<hbm>> -> memref<16x1024xf32, #tpu.memory_space<hbm>>
    tpu.wait_dma2 semaphore(%arg19 : memref<!tpu.dma_semaphore, #tpu.memory_space<semaphore_mem>>) src(%arg7 : memref<16x1024xf32, #tpu.memory_space<vmem>>) dst(%dma_wait3A_228 : memref<16x1024xf32, #tpu.memory_space<hbm>>)
    %dma_start3A_229 = arith.constant 208 : i32
    %dma_start3A_230 = tpu.memref_slice %arg5[%dma_start3A_229] : memref<256xi32, #tpu.memory_space<vmem>> -> memref<16xi32, #tpu.memory_space<vmem>>
    %dma_start3A_231 = arith.constant 0 : i32
    %dma_start3A_232 = arith.constant 0 : i32
    %dma_start3A_233 = tpu.memref_slice %arg3[%dma_start3A_231, %dma_start3A_232] : memref<100000x1024xf32, #tpu.memory_space<hbm>> -> memref<100000x1024xf32, #tpu.memory_space<hbm>>
    tpu.enqueue_indirect_dma source(%dma_start3A_233 : memref<100000x1024xf32, #tpu.memory_space<hbm>>) target(%arg7 : memref<16x1024xf32, #tpu.memory_space<vmem>>) offsets(%dma_start3A_230 : memref<16xi32, #tpu.memory_space<vmem>>) semaphore(%arg13 : memref<!tpu.dma_semaphore, #tpu.memory_space<semaphore_mem>>)
    %dma_wait3A_234 = arith.constant 144 : i32
    %dma_wait3A_235 = tpu.memref_slice %arg5[%dma_wait3A_234] : memref<256xi32, #tpu.memory_space<vmem>> -> memref<16xi32, #tpu.memory_space<vmem>>
    %dma_wait3A_236 = arith.constant 0 : i32
    %dma_wait3A_237 = arith.constant 0 : i32
    %dma_wait3A_238 = tpu.memref_slice %arg3[%dma_wait3A_236, %dma_wait3A_237] : memref<100000x1024xf32, #tpu.memory_space<hbm>> -> memref<100000x1024xf32, #tpu.memory_space<hbm>>
    tpu.wait_indirect_dma semaphore(%arg15 : memref<!tpu.dma_semaphore, #tpu.memory_space<semaphore_mem>>) src(%dma_wait3A_238 : memref<100000x1024xf32, #tpu.memory_space<hbm>>) dst(%arg9 : memref<16x1024xf32, #tpu.memory_space<vmem>>)
    %add3A_239 = arith.constant 144 : i32
    %add3A_240 = arith.addi %mul3A_2, %add3A_239 : i32
    %dma_start3A_241 = arith.constant 0 : i32
    %dma_start3A_242 = tpu.memref_slice %arg4[%add3A_240, %dma_start3A_241] : memref<8192x1024xf32, #tpu.memory_space<hbm>> -> memref<16x1024xf32, #tpu.memory_space<hbm>>
    %dma_start3A_243 = arith.constant 0 : i32
    %dma_start3A_244 = tpu.memref_slice %arg4[%add3A_240, %dma_start3A_243] : memref<8192x1024xf32, #tpu.memory_space<hbm>> -> memref<16x1024xf32, #tpu.memory_space<hbm>>
    tpu.enqueue_dma source(%arg9 : memref<16x1024xf32, #tpu.memory_space<vmem>>) target(%dma_start3A_244 : memref<16x1024xf32, #tpu.memory_space<hbm>>) target_semaphore(%arg21 : memref<!tpu.dma_semaphore, #tpu.memory_space<semaphore_mem>>)
    %dma_wait3A_245 = arith.constant 0 : i32
    %dma_wait3A_246 = tpu.memref_slice %arg4[%add3A_220, %dma_wait3A_245] : memref<8192x1024xf32, #tpu.memory_space<hbm>> -> memref<16x1024xf32, #tpu.memory_space<hbm>>
    %dma_wait3A_247 = arith.constant 0 : i32
    %dma_wait3A_248 = tpu.memref_slice %arg4[%add3A_220, %dma_wait3A_247] : memref<8192x1024xf32, #tpu.memory_space<hbm>> -> memref<16x1024xf32, #tpu.memory_space<hbm>>
    tpu.wait_dma2 semaphore(%arg20 : memref<!tpu.dma_semaphore, #tpu.memory_space<semaphore_mem>>) src(%arg8 : memref<16x1024xf32, #tpu.memory_space<vmem>>) dst(%dma_wait3A_248 : memref<16x1024xf32, #tpu.memory_space<hbm>>)
    %dma_start3A_249 = arith.constant 224 : i32
    %dma_start3A_250 = tpu.memref_slice %arg5[%dma_start3A_249] : memref<256xi32, #tpu.memory_space<vmem>> -> memref<16xi32, #tpu.memory_space<vmem>>
    %dma_start3A_251 = arith.constant 0 : i32
    %dma_start3A_252 = arith.constant 0 : i32
    %dma_start3A_253 = tpu.memref_slice %arg3[%dma_start3A_251, %dma_start3A_252] : memref<100000x1024xf32, #tpu.memory_space<hbm>> -> memref<100000x1024xf32, #tpu.memory_space<hbm>>
    tpu.enqueue_indirect_dma source(%dma_start3A_253 : memref<100000x1024xf32, #tpu.memory_space<hbm>>) target(%arg8 : memref<16x1024xf32, #tpu.memory_space<vmem>>) offsets(%dma_start3A_250 : memref<16xi32, #tpu.memory_space<vmem>>) semaphore(%arg14 : memref<!tpu.dma_semaphore, #tpu.memory_space<semaphore_mem>>)
    %dma_wait3A_254 = arith.constant 160 : i32
    %dma_wait3A_255 = tpu.memref_slice %arg5[%dma_wait3A_254] : memref<256xi32, #tpu.memory_space<vmem>> -> memref<16xi32, #tpu.memory_space<vmem>>
    %dma_wait3A_256 = arith.constant 0 : i32
    %dma_wait3A_257 = arith.constant 0 : i32
    %dma_wait3A_258 = tpu.memref_slice %arg3[%dma_wait3A_256, %dma_wait3A_257] : memref<100000x1024xf32, #tpu.memory_space<hbm>> -> memref<100000x1024xf32, #tpu.memory_space<hbm>>
    tpu.wait_indirect_dma semaphore(%arg16 : memref<!tpu.dma_semaphore, #tpu.memory_space<semaphore_mem>>) src(%dma_wait3A_258 : memref<100000x1024xf32, #tpu.memory_space<hbm>>) dst(%arg10 : memref<16x1024xf32, #tpu.memory_space<vmem>>)
    %add3A_259 = arith.constant 160 : i32
    %add3A_260 = arith.addi %mul3A_2, %add3A_259 : i32
    %dma_start3A_261 = arith.constant 0 : i32
    %dma_start3A_262 = tpu.memref_slice %arg4[%add3A_260, %dma_start3A_261] : memref<8192x1024xf32, #tpu.memory_space<hbm>> -> memref<16x1024xf32, #tpu.memory_space<hbm>>
    %dma_start3A_263 = arith.constant 0 : i32
    %dma_start3A_264 = tpu.memref_slice %arg4[%add3A_260, %dma_start3A_263] : memref<8192x1024xf32, #tpu.memory_space<hbm>> -> memref<16x1024xf32, #tpu.memory_space<hbm>>
    tpu.enqueue_dma source(%arg10 : memref<16x1024xf32, #tpu.memory_space<vmem>>) target(%dma_start3A_264 : memref<16x1024xf32, #tpu.memory_space<hbm>>) target_semaphore(%arg22 : memref<!tpu.dma_semaphore, #tpu.memory_space<semaphore_mem>>)
    %dma_wait3A_265 = arith.constant 0 : i32
    %dma_wait3A_266 = tpu.memref_slice %arg4[%add3A_240, %dma_wait3A_265] : memref<8192x1024xf32, #tpu.memory_space<hbm>> -> memref<16x1024xf32, #tpu.memory_space<hbm>>
    %dma_wait3A_267 = arith.constant 0 : i32
    %dma_wait3A_268 = tpu.memref_slice %arg4[%add3A_240, %dma_wait3A_267] : memref<8192x1024xf32, #tpu.memory_space<hbm>> -> memref<16x1024xf32, #tpu.memory_space<hbm>>
    tpu.wait_dma2 semaphore(%arg21 : memref<!tpu.dma_semaphore, #tpu.memory_space<semaphore_mem>>) src(%arg9 : memref<16x1024xf32, #tpu.memory_space<vmem>>) dst(%dma_wait3A_268 : memref<16x1024xf32, #tpu.memory_space<hbm>>)
    %dma_start3A_269 = arith.constant 240 : i32
    %dma_start3A_270 = tpu.memref_slice %arg5[%dma_start3A_269] : memref<256xi32, #tpu.memory_space<vmem>> -> memref<16xi32, #tpu.memory_space<vmem>>
    %dma_start3A_271 = arith.constant 0 : i32
    %dma_start3A_272 = arith.constant 0 : i32
    %dma_start3A_273 = tpu.memref_slice %arg3[%dma_start3A_271, %dma_start3A_272] : memref<100000x1024xf32, #tpu.memory_space<hbm>> -> memref<100000x1024xf32, #tpu.memory_space<hbm>>
    tpu.enqueue_indirect_dma source(%dma_start3A_273 : memref<100000x1024xf32, #tpu.memory_space<hbm>>) target(%arg9 : memref<16x1024xf32, #tpu.memory_space<vmem>>) offsets(%dma_start3A_270 : memref<16xi32, #tpu.memory_space<vmem>>) semaphore(%arg15 : memref<!tpu.dma_semaphore, #tpu.memory_space<semaphore_mem>>)
    %dma_wait3A_274 = arith.constant 176 : i32
    %dma_wait3A_275 = tpu.memref_slice %arg5[%dma_wait3A_274] : memref<256xi32, #tpu.memory_space<vmem>> -> memref<16xi32, #tpu.memory_space<vmem>>
    %dma_wait3A_276 = arith.constant 0 : i32
    %dma_wait3A_277 = arith.constant 0 : i32
    %dma_wait3A_278 = tpu.memref_slice %arg3[%dma_wait3A_276, %dma_wait3A_277] : memref<100000x1024xf32, #tpu.memory_space<hbm>> -> memref<100000x1024xf32, #tpu.memory_space<hbm>>
    tpu.wait_indirect_dma semaphore(%arg17 : memref<!tpu.dma_semaphore, #tpu.memory_space<semaphore_mem>>) src(%dma_wait3A_278 : memref<100000x1024xf32, #tpu.memory_space<hbm>>) dst(%arg11 : memref<16x1024xf32, #tpu.memory_space<vmem>>)
    %add3A_279 = arith.constant 176 : i32
    %add3A_280 = arith.addi %mul3A_2, %add3A_279 : i32
    %dma_start3A_281 = arith.constant 0 : i32
    %dma_start3A_282 = tpu.memref_slice %arg4[%add3A_280, %dma_start3A_281] : memref<8192x1024xf32, #tpu.memory_space<hbm>> -> memref<16x1024xf32, #tpu.memory_space<hbm>>
    %dma_start3A_283 = arith.constant 0 : i32
    %dma_start3A_284 = tpu.memref_slice %arg4[%add3A_280, %dma_start3A_283] : memref<8192x1024xf32, #tpu.memory_space<hbm>> -> memref<16x1024xf32, #tpu.memory_space<hbm>>
    tpu.enqueue_dma source(%arg11 : memref<16x1024xf32, #tpu.memory_space<vmem>>) target(%dma_start3A_284 : memref<16x1024xf32, #tpu.memory_space<hbm>>) target_semaphore(%arg23 : memref<!tpu.dma_semaphore, #tpu.memory_space<semaphore_mem>>)
    %dma_wait3A_285 = arith.constant 192 : i32
    %dma_wait3A_286 = tpu.memref_slice %arg5[%dma_wait3A_285] : memref<256xi32, #tpu.memory_space<vmem>> -> memref<16xi32, #tpu.memory_space<vmem>>
    %dma_wait3A_287 = arith.constant 0 : i32
    %dma_wait3A_288 = arith.constant 0 : i32
    %dma_wait3A_289 = tpu.memref_slice %arg3[%dma_wait3A_287, %dma_wait3A_288] : memref<100000x1024xf32, #tpu.memory_space<hbm>> -> memref<100000x1024xf32, #tpu.memory_space<hbm>>
    tpu.wait_indirect_dma semaphore(%arg12 : memref<!tpu.dma_semaphore, #tpu.memory_space<semaphore_mem>>) src(%dma_wait3A_289 : memref<100000x1024xf32, #tpu.memory_space<hbm>>) dst(%arg6 : memref<16x1024xf32, #tpu.memory_space<vmem>>)
    %add3A_290 = arith.constant 192 : i32
    %add3A_291 = arith.addi %mul3A_2, %add3A_290 : i32
    %dma_start3A_292 = arith.constant 0 : i32
    %dma_start3A_293 = tpu.memref_slice %arg4[%add3A_291, %dma_start3A_292] : memref<8192x1024xf32, #tpu.memory_space<hbm>> -> memref<16x1024xf32, #tpu.memory_space<hbm>>
    %dma_start3A_294 = arith.constant 0 : i32
    %dma_start3A_295 = tpu.memref_slice %arg4[%add3A_291, %dma_start3A_294] : memref<8192x1024xf32, #tpu.memory_space<hbm>> -> memref<16x1024xf32, #tpu.memory_space<hbm>>
    tpu.enqueue_dma source(%arg6 : memref<16x1024xf32, #tpu.memory_space<vmem>>) target(%dma_start3A_295 : memref<16x1024xf32, #tpu.memory_space<hbm>>) target_semaphore(%arg18 : memref<!tpu.dma_semaphore, #tpu.memory_space<semaphore_mem>>)
    %dma_wait3A_296 = arith.constant 208 : i32
    %dma_wait3A_297 = tpu.memref_slice %arg5[%dma_wait3A_296] : memref<256xi32, #tpu.memory_space<vmem>> -> memref<16xi32, #tpu.memory_space<vmem>>
    %dma_wait3A_298 = arith.constant 0 : i32
    %dma_wait3A_299 = arith.constant 0 : i32
    %dma_wait3A_300 = tpu.memref_slice %arg3[%dma_wait3A_298, %dma_wait3A_299] : memref<100000x1024xf32, #tpu.memory_space<hbm>> -> memref<100000x1024xf32, #tpu.memory_space<hbm>>
    tpu.wait_indirect_dma semaphore(%arg13 : memref<!tpu.dma_semaphore, #tpu.memory_space<semaphore_mem>>) src(%dma_wait3A_300 : memref<100000x1024xf32, #tpu.memory_space<hbm>>) dst(%arg7 : memref<16x1024xf32, #tpu.memory_space<vmem>>)
    %add3A_301 = arith.constant 208 : i32
    %add3A_302 = arith.addi %mul3A_2, %add3A_301 : i32
    %dma_start3A_303 = arith.constant 0 : i32
    %dma_start3A_304 = tpu.memref_slice %arg4[%add3A_302, %dma_start3A_303] : memref<8192x1024xf32, #tpu.memory_space<hbm>> -> memref<16x1024xf32, #tpu.memory_space<hbm>>
    %dma_start3A_305 = arith.constant 0 : i32
    %dma_start3A_306 = tpu.memref_slice %arg4[%add3A_302, %dma_start3A_305] : memref<8192x1024xf32, #tpu.memory_space<hbm>> -> memref<16x1024xf32, #tpu.memory_space<hbm>>
    tpu.enqueue_dma source(%arg7 : memref<16x1024xf32, #tpu.memory_space<vmem>>) target(%dma_start3A_306 : memref<16x1024xf32, #tpu.memory_space<hbm>>) target_semaphore(%arg19 : memref<!tpu.dma_semaphore, #tpu.memory_space<semaphore_mem>>)
    %dma_wait3A_307 = arith.constant 224 : i32
    %dma_wait3A_308 = tpu.memref_slice %arg5[%dma_wait3A_307] : memref<256xi32, #tpu.memory_space<vmem>> -> memref<16xi32, #tpu.memory_space<vmem>>
    %dma_wait3A_309 = arith.constant 0 : i32
    %dma_wait3A_310 = arith.constant 0 : i32
    %dma_wait3A_311 = tpu.memref_slice %arg3[%dma_wait3A_309, %dma_wait3A_310] : memref<100000x1024xf32, #tpu.memory_space<hbm>> -> memref<100000x1024xf32, #tpu.memory_space<hbm>>
    tpu.wait_indirect_dma semaphore(%arg14 : memref<!tpu.dma_semaphore, #tpu.memory_space<semaphore_mem>>) src(%dma_wait3A_311 : memref<100000x1024xf32, #tpu.memory_space<hbm>>) dst(%arg8 : memref<16x1024xf32, #tpu.memory_space<vmem>>)
    %add3A_312 = arith.constant 224 : i32
    %add3A_313 = arith.addi %mul3A_2, %add3A_312 : i32
    %dma_start3A_314 = arith.constant 0 : i32
    %dma_start3A_315 = tpu.memref_slice %arg4[%add3A_313, %dma_start3A_314] : memref<8192x1024xf32, #tpu.memory_space<hbm>> -> memref<16x1024xf32, #tpu.memory_space<hbm>>
    %dma_start3A_316 = arith.constant 0 : i32
    %dma_start3A_317 = tpu.memref_slice %arg4[%add3A_313, %dma_start3A_316] : memref<8192x1024xf32, #tpu.memory_space<hbm>> -> memref<16x1024xf32, #tpu.memory_space<hbm>>
    tpu.enqueue_dma source(%arg8 : memref<16x1024xf32, #tpu.memory_space<vmem>>) target(%dma_start3A_317 : memref<16x1024xf32, #tpu.memory_space<hbm>>) target_semaphore(%arg20 : memref<!tpu.dma_semaphore, #tpu.memory_space<semaphore_mem>>)
    %dma_wait3A_318 = arith.constant 240 : i32
    %dma_wait3A_319 = tpu.memref_slice %arg5[%dma_wait3A_318] : memref<256xi32, #tpu.memory_space<vmem>> -> memref<16xi32, #tpu.memory_space<vmem>>
    %dma_wait3A_320 = arith.constant 0 : i32
    %dma_wait3A_321 = arith.constant 0 : i32
    %dma_wait3A_322 = tpu.memref_slice %arg3[%dma_wait3A_320, %dma_wait3A_321] : memref<100000x1024xf32, #tpu.memory_space<hbm>> -> memref<100000x1024xf32, #tpu.memory_space<hbm>>
    tpu.wait_indirect_dma semaphore(%arg15 : memref<!tpu.dma_semaphore, #tpu.memory_space<semaphore_mem>>) src(%dma_wait3A_322 : memref<100000x1024xf32, #tpu.memory_space<hbm>>) dst(%arg9 : memref<16x1024xf32, #tpu.memory_space<vmem>>)
    %add3A_323 = arith.constant 240 : i32
    %add3A_324 = arith.addi %mul3A_2, %add3A_323 : i32
    %dma_start3A_325 = arith.constant 0 : i32
    %dma_start3A_326 = tpu.memref_slice %arg4[%add3A_324, %dma_start3A_325] : memref<8192x1024xf32, #tpu.memory_space<hbm>> -> memref<16x1024xf32, #tpu.memory_space<hbm>>
    %dma_start3A_327 = arith.constant 0 : i32
    %dma_start3A_328 = tpu.memref_slice %arg4[%add3A_324, %dma_start3A_327] : memref<8192x1024xf32, #tpu.memory_space<hbm>> -> memref<16x1024xf32, #tpu.memory_space<hbm>>
    tpu.enqueue_dma source(%arg9 : memref<16x1024xf32, #tpu.memory_space<vmem>>) target(%dma_start3A_328 : memref<16x1024xf32, #tpu.memory_space<hbm>>) target_semaphore(%arg21 : memref<!tpu.dma_semaphore, #tpu.memory_space<semaphore_mem>>)
    %dma_wait3A_329 = arith.constant 0 : i32
    %dma_wait3A_330 = tpu.memref_slice %arg4[%add3A_260, %dma_wait3A_329] : memref<8192x1024xf32, #tpu.memory_space<hbm>> -> memref<16x1024xf32, #tpu.memory_space<hbm>>
    %dma_wait3A_331 = arith.constant 0 : i32
    %dma_wait3A_332 = tpu.memref_slice %arg4[%add3A_260, %dma_wait3A_331] : memref<8192x1024xf32, #tpu.memory_space<hbm>> -> memref<16x1024xf32, #tpu.memory_space<hbm>>
    tpu.wait_dma2 semaphore(%arg22 : memref<!tpu.dma_semaphore, #tpu.memory_space<semaphore_mem>>) src(%arg10 : memref<16x1024xf32, #tpu.memory_space<vmem>>) dst(%dma_wait3A_332 : memref<16x1024xf32, #tpu.memory_space<hbm>>)
    %dma_wait3A_333 = arith.constant 0 : i32
    %dma_wait3A_334 = tpu.memref_slice %arg4[%add3A_280, %dma_wait3A_333] : memref<8192x1024xf32, #tpu.memory_space<hbm>> -> memref<16x1024xf32, #tpu.memory_space<hbm>>
    %dma_wait3A_335 = arith.constant 0 : i32
    %dma_wait3A_336 = tpu.memref_slice %arg4[%add3A_280, %dma_wait3A_335] : memref<8192x1024xf32, #tpu.memory_space<hbm>> -> memref<16x1024xf32, #tpu.memory_space<hbm>>
    tpu.wait_dma2 semaphore(%arg23 : memref<!tpu.dma_semaphore, #tpu.memory_space<semaphore_mem>>) src(%arg11 : memref<16x1024xf32, #tpu.memory_space<vmem>>) dst(%dma_wait3A_336 : memref<16x1024xf32, #tpu.memory_space<hbm>>)
    %dma_wait3A_337 = arith.constant 0 : i32
    %dma_wait3A_338 = tpu.memref_slice %arg4[%add3A_291, %dma_wait3A_337] : memref<8192x1024xf32, #tpu.memory_space<hbm>> -> memref<16x1024xf32, #tpu.memory_space<hbm>>
    %dma_wait3A_339 = arith.constant 0 : i32
    %dma_wait3A_340 = tpu.memref_slice %arg4[%add3A_291, %dma_wait3A_339] : memref<8192x1024xf32, #tpu.memory_space<hbm>> -> memref<16x1024xf32, #tpu.memory_space<hbm>>
    tpu.wait_dma2 semaphore(%arg18 : memref<!tpu.dma_semaphore, #tpu.memory_space<semaphore_mem>>) src(%arg6 : memref<16x1024xf32, #tpu.memory_space<vmem>>) dst(%dma_wait3A_340 : memref<16x1024xf32, #tpu.memory_space<hbm>>)
    %dma_wait3A_341 = arith.constant 0 : i32
    %dma_wait3A_342 = tpu.memref_slice %arg4[%add3A_302, %dma_wait3A_341] : memref<8192x1024xf32, #tpu.memory_space<hbm>> -> memref<16x1024xf32, #tpu.memory_space<hbm>>
    %dma_wait3A_343 = arith.constant 0 : i32
    %dma_wait3A_344 = tpu.memref_slice %arg4[%add3A_302, %dma_wait3A_343] : memref<8192x1024xf32, #tpu.memory_space<hbm>> -> memref<16x1024xf32, #tpu.memory_space<hbm>>
    tpu.wait_dma2 semaphore(%arg19 : memref<!tpu.dma_semaphore, #tpu.memory_space<semaphore_mem>>) src(%arg7 : memref<16x1024xf32, #tpu.memory_space<vmem>>) dst(%dma_wait3A_344 : memref<16x1024xf32, #tpu.memory_space<hbm>>)
    %dma_wait3A_345 = arith.constant 0 : i32
    %dma_wait3A_346 = tpu.memref_slice %arg4[%add3A_313, %dma_wait3A_345] : memref<8192x1024xf32, #tpu.memory_space<hbm>> -> memref<16x1024xf32, #tpu.memory_space<hbm>>
    %dma_wait3A_347 = arith.constant 0 : i32
    %dma_wait3A_348 = tpu.memref_slice %arg4[%add3A_313, %dma_wait3A_347] : memref<8192x1024xf32, #tpu.memory_space<hbm>> -> memref<16x1024xf32, #tpu.memory_space<hbm>>
    tpu.wait_dma2 semaphore(%arg20 : memref<!tpu.dma_semaphore, #tpu.memory_space<semaphore_mem>>) src(%arg8 : memref<16x1024xf32, #tpu.memory_space<vmem>>) dst(%dma_wait3A_348 : memref<16x1024xf32, #tpu.memory_space<hbm>>)
    %dma_wait3A_349 = arith.constant 0 : i32
    %dma_wait3A_350 = tpu.memref_slice %arg4[%add3A_324, %dma_wait3A_349] : memref<8192x1024xf32, #tpu.memory_space<hbm>> -> memref<16x1024xf32, #tpu.memory_space<hbm>>
    %dma_wait3A_351 = arith.constant 0 : i32
    %dma_wait3A_352 = tpu.memref_slice %arg4[%add3A_324, %dma_wait3A_351] : memref<8192x1024xf32, #tpu.memory_space<hbm>> -> memref<16x1024xf32, #tpu.memory_space<hbm>>
    tpu.wait_dma2 semaphore(%arg21 : memref<!tpu.dma_semaphore, #tpu.memory_space<semaphore_mem>>) src(%arg9 : memref<16x1024xf32, #tpu.memory_space<vmem>>) dst(%dma_wait3A_352 : memref<16x1024xf32, #tpu.memory_space<hbm>>)
    return
  }
}

</mosaic_0001>

<sc_bundles>
// kernel: _embedding_gather.3.cloned.1.call-start
scs
__scs_entry_jumppad:
0x0: {  	(pc) =	sbr.rel $0x88, $3  }
0x1: {  	(tag) =	ssettag $0x0;
	lr =	simm.s32 $0x1  }
0x2: {  	[smem:$0x3F9F] =	sst lr;
	_ =	strace $0xD0000000  }
0x3: {  	_ = 	snop  }
0x4: {  	_ = 	snop  }
0x5: {  	_ = 	snop  }
0x6: {  	_ = 	snop  }
0x7: {  	_ = 	snop  }
__scs_overlays_trampoline_lowered:
0x8: {  	[smem:$0x3FAE] =	sst s0  }
0x9: {  	[smem:$0x3FAF] =	sst s1  }
0xa: {  	[smem:$0x3FB0] =	sst s2  }
0xb: {  	[smem:$0x3FB1] =	sst s3  }
0xc: {  	[smem:$0x3FB2] =	sst s4  }
0xd: {  	[smem:$0x3FB3] =	sst s5  }
0xe: {  	[smem:$0x3FB4] =	sst s6  }
0xf: {  	[smem:$0x3FB5] =	sst s7  }
0x10: {  	[smem:$0x3FB6] =	sst s8  }
0x11: {  	[smem:$0x3FB7] =	sst s9;
	s0 =	simm.s32 @!p0 $0x0  }
0x12: {  	s1 =	sld [smem:$0x3F9D];
	s0 =	simm.s32 @p0 $0x1  }
0x13: {  	[smem:$0x3FB8] =	sst s0;
	s0 =	simm.s32 @!p1 $0x0  }
0x14: {  	s2 =	sld [smem:$0x3F9C];
	s0 =	simm.s32 @p1 $0x1  }
0x15: {  	[smem:$0x3FB9] =	sst s0;
	s0 =	simm.s32 @!p2 $0x0  }
0x16: {  	s3 =	sld [smem:$0x3FDB];
	s0 =	simm.s32 @p2 $0x1  }
0x17: {  	s4 =	simm.s32 $0x1BF5;
	[smem:$0x3FBB] =	sst s0  }
0x18: {  	s0 =	sld [smem:$0x3F9E];
	_ =	swait.ge [sflag:s4], $0x0  }
0x19: {  	s7 =	sld [smem:$0x3F9F]  }
0x1a: {  	s8 =	sadd.s32 $0xFFFFE003, lr  }
0x1b: {  	s9 =	sadd.s32 $0xFFFFFEF7, lr;
	s5 =	simm.s32 $0xFFFFFFFF;
	p2 =	slt.u32 s8, $0xFFFFF086  }
0x1c: {  	p1 =	slt.u32 s9, $0xF7A;
	s5 =	simm.s32 @!p2 $0x0  }
0x1d: {  	s5 =	simm.s32 @p1 $0x1;
	p0 =	seq.s32 s7, s2  }
0x1e: {  	s7 =	smul.u32 @!p0 $0xF7A, s2;
	p2 =	seq.s32 @!p0 s5, $0x0  }
0x1f: {  	s9 =	smul.u32 $0xF7A, s1;
	s8 =	simm.s32 @!p0 $0x1BF5;
	p2 =	por !p2, p0  }
0x20: {  	[sflag:s8] =	ssyncset.s32 @!p0 $0xFFFFF086;
	s6 =	sadd.s32 @!p0 s3, s7;
	s7 =	simm.s32 @!p0 $0x108  }
0x21: {  	s3 =	sadd.s32 s3, s9;
	s6 =	sadd.s32 @!p0 $0x88, s6;
	s7 =	simm.s32 @p2 $0x1082  }
0x22: {  	[simem:s7], [sflag:s8] =	dma.local @!p0 [hbm:s6], $0xF7A  }
0x23: {  	s9 =	sor.u32 $0xD0000000, s2;
	s6 =	simm.s32 $0x108;
	_ =	swait.ge @!p0 [sflag:s8], $0x0  }
0x24: {  	s3 =	sadd.s32 $0x88, s3;
	s6 =	simm.s32 @!p1 $0x1082;
	[sflag:s4] =	ssyncset.s32 $0xFFFFF086  }
0x25: {  	[simem:s6], [sflag:s4] =	dma.local [hbm:s3], $0xF7A  }
0x26: {  	[smem:$0x3F9F] =	sst s1;
	(tag) =	ssettag s2;
	_ =	strace s9  }
0x27: {  	s1 =	sld [smem:$0x3FAF]  }
0x28: {  	s2 =	sld [smem:$0x3FB0]  }
0x29: {  	s4 =	sld [smem:$0x3FB2]  }
0x2a: {  	p0 =	seq.s32 s5, $0x0;
	s5 =	sld [smem:$0x3FB3]  }
0x2b: {  	s6 =	sld [smem:$0x3FB4]  }
0x2c: {  	s7 =	sld [smem:$0x3FB5]  }
0x2d: {  	s3 =	simm.s32 $0x108;
	s8 =	sld [smem:$0x3FB6]  }
0x2e: {  	s3 =	simm.s32 @!p0 $0x1082;
	s9 =	sld [smem:$0x3FB7]  }
0x2f: {  	lr =	sadd.s32 s0, s3;
	s0 =	sld [smem:$0x3FAE]  }
0x30: {  	s3 =	sld [smem:$0x3FB1]  }
0x31: {  	[smem:$0x3FBA] =	sst s10  }
0x32: {  	s10 =	sld [smem:$0x3FB8];
	_ =	sdelay $0x3  }
0x33: {  	p0 =	seq.s32 s10, $0x1;
	s10 =	sld [smem:$0x3FBA];
	_ =	sdelay $0x3  }
0x34: {  	[smem:$0x3FBA] =	sst s10  }
0x35: {  	s10 =	sld [smem:$0x3FB9];
	_ =	sdelay $0x3  }
0x36: {  	p1 =	seq.s32 s10, $0x1;
	s10 =	sld [smem:$0x3FBA];
	_ =	sdelay $0x3  }
0x37: {  	[smem:$0x3FBA] =	sst s10  }
0x38: {  	s10 =	sld [smem:$0x3FBB]  }
0x39: {  	_ = 	snop;
	(pc) =	sbr.ind lr, $3  }
0x3a: {  	_ = 	snop  }
0x3b: {  	_ = 	snop  }
0x3c: {  	p2 =	seq.s32 s10, $0x1;
	s10 =	sld [smem:$0x3FBA]  }
0x3d: {  	_ =	shalt  }
0x3e: {  	_ =	shalt  }
0x3f: {  	_ =	shalt  }
0x40: {  	_ =	shalt  }
0x41: {  	_ =	shalt  }
0x42: {  	_ =	shalt  }
0x43: {  	_ =	shalt  }
0x44: {  	_ =	shalt  }
0x45: {  	_ =	shalt  }
0x46: {  	_ =	shalt  }
0x47: {  	_ =	shalt  }
0x48: {  	_ =	shalt  }
0x49: {  	_ =	shalt  }
0x4a: {  	_ =	shalt  }
0x4b: {  	_ =	shalt  }
0x4c: {  	_ =	shalt  }
0x4d: {  	_ =	shalt  }
0x4e: {  	_ =	shalt  }
0x4f: {  	_ =	shalt  }
0x50: {  	_ =	shalt  }
0x51: {  	_ =	shalt  }
0x52: {  	_ =	shalt  }
0x53: {  	_ =	shalt  }
0x54: {  	_ =	shalt  }
0x55: {  	_ =	shalt  }
0x56: {  	_ =	shalt  }
0x57: {  	_ =	shalt  }
0x58: {  	_ =	shalt  }
0x59: {  	_ =	shalt  }
0x5a: {  	_ =	shalt  }
0x5b: {  	_ =	shalt  }
0x5c: {  	_ =	shalt  }
0x5d: {  	_ =	shalt  }
0x5e: {  	_ =	shalt  }
0x5f: {  	_ =	shalt  }
0x60: {  	_ =	shalt  }
0x61: {  	_ =	shalt  }
0x62: {  	_ =	shalt  }
0x63: {  	_ =	shalt  }
0x64: {  	_ =	shalt  }
0x65: {  	_ =	shalt  }
0x66: {  	_ =	shalt  }
0x67: {  	_ =	shalt  }
0x68: {  	_ =	shalt  }
0x69: {  	_ =	shalt  }
0x6a: {  	_ =	shalt  }
0x6b: {  	_ =	shalt  }
0x6c: {  	_ =	shalt  }
0x6d: {  	_ =	shalt  }
0x6e: {  	_ =	shalt  }
0x6f: {  	_ =	shalt  }
0x70: {  	_ =	shalt  }
0x71: {  	_ =	shalt  }
0x72: {  	_ =	shalt  }
0x73: {  	_ =	shalt  }
0x74: {  	_ =	shalt  }
0x75: {  	_ =	shalt  }
0x76: {  	_ =	shalt  }
0x77: {  	_ =	shalt  }
0x78: {  	_ =	shalt  }
0x79: {  	_ =	shalt  }
0x7a: {  	_ =	shalt  }
0x7b: {  	_ =	shalt  }
0x7c: {  	_ =	shalt  }
0x7d: {  	_ =	shalt  }
0x7e: {  	_ =	shalt  }
0x7f: {  	_ =	shalt  }
0x80: {  	_ =	shalt  }
0x81: {  	_ =	shalt  }
0x82: {  	_ =	shalt  }
0x83: {  	_ =	shalt  }
0x84: {  	_ =	shalt  }
0x85: {  	_ =	shalt  }
0x86: {  	_ =	shalt  }
0x87: {  	_ =	shalt  }
.Lfunc_end0:
.L_simem_size_0:
called_computation_lowered:
.L_overlay_start_0:
0x88: {  	s2 =	sld [smem:$0x3FD9]  }
0x89: {  	s3 =	sld [smem:$0x3FFE];
	_ =	sdelay $0x1  }
0x8a: {  	s1 =	srdreg.scid  }
0x8b: {  	s0 =	sand.u32 $0x1, s1  }
0x8c: {  	s18 =	sshll.u32 s0, $0xA;
	s2 =	sadd.s32 s3, s2  }
0x8d: {  	s2 =	sadd.s32 s2, s18  }
0x8e: {  	[smem:$0x3FC6] =	sst s2  }
0x8f: {  	_ = 	snop  }
0x90: {  	s2 =	sld [smem:$0x3FC9]  }
0x91: {  	s19 =	sld [smem:$0x3FC8]  }
0x92: {  	s4 =	sld [smem:$0x3FD0];
	(tm) =	ssettm $0x1  }
0x93: {  	s5 =	sld [smem:$0x3FFB];
	_ =	sdelay $0x3  }
0x94: {  	_ =	strace s5  }
0x95: {  	s5 =	sld [smem:$0x3FFC];
	_ =	sdelay $0x3  }
0x96: {  	_ =	strace s5  }
0x97: {  	s5 =	sld [smem:$0x3FFD];
	_ =	sdelay $0x3  }
0x98: {  	_ =	strace s5  }
0x99: {  	_ =	strace $0x8FFFFFFF  }
0x9a: {  	s20 =	sld [smem:$0x3FDB];
	_ =	sdelay $0x1  }
0x9b: {  	s6 =	simm.s32 $_scs_section_size  }
0x9c: {  	s7 =	simm.s32 $_size__tile_overlayer_lowered;
	s8 =	simm.s32 $_tile_overlayer_lowered  }
0x9d: {  	s23 =	simm.s32 $0x1BFF;
	s22 =	sshll.u32 s8, $0x1;
	s5 =	sadd.s32 s6, s20  }
0x9e: {  	s9 =	simm.s32 $0x0;
	s21 =	sshll.u32 s7, $0x1;
	s7 =	sadd.s32 s22, s5  }
0x9f: {  	[timem:s9], [sflag:s23] =	dma.local [hbm:s7], s21  }
0xa0: {  	_ =	swait.ge [sflag:s23], s21  }
0xa1: {  	s6 =	ssub.s32 $0x0, s21;
	[sflag:s23] =	ssyncset.done $0x0  }
0xa2: {  	[sflag:s23] =	ssyncadd.s32 s6;
	_ =	sdelay $0x1  }
0xa3: {  	s24 =	simm.s32 $0x1B8B  }
0xa4: {  	_ =	swait.ge [sflag:s24], $0x1  }
0xa5: {  	[sflag:s24] =	ssyncset.done $0x0  }
0xa6: {  	s25 =	simm.s32 $0x1B8E;
	[sflag:s24] =	ssyncadd.s32 $0xFFFFFFFF  }
0xa7: {  	s26 =	simm.s32 $execute0_lowered;
	[smem:$0x3FD2] =	sst s25  }
0xa8: {  	s6 =	sshll.u32 s26, $0x1;
	_ =	strace $0x80000046;
	[dreg:$0x1] =	wrdreg $0xFFFFFFFF  }
0xa9: {  	s28 =	simm.s32 $_size_execute0_lowered;
	s5 =	sadd.s32 s5, s6;
	[dreg:$0x0] =	wrdreg $0x0  }
0xaa: {  	s6 =	sshll.u32 s28, $0x1;
	[dreg:$0x2] =	wrdreg s5  }
0xab: {  	[dreg:$0x3] =	wrdreg s6  }
0xac: {  	[dreg:$0x4] =	wrdreg $0xC0  }
0xad: {  	_ =	task [dreg:s9], $0x5FFFF  }
0xae: {  	[dreg:$0x1] =	wrdreg $0xFFFFFFFF  }
0xaf: {  	[dreg:$0x0] =	wrdreg $0x60  }
0xb0: {  	[dreg:$0x2] =	wrdreg s2  }
0xb1: {  	[dreg:$0x3] =	wrdreg s19  }
0xb2: {  	[dreg:$0x4] =	wrdreg s4  }
0xb3: {  	[dreg:$0x5] =	wrdreg $0x9  }
0xb4: {  	_ =	task.clear_ibuf [dreg:s9], $0x6FFFF;
	_ =	strace $0x90000046  }
0xb5: {  	s29 =	simm.s32 $0x9;
	_ =	strace $0x80000048  }
0xb6: {  	_ =	swait.ge [sflag:s29], $0x1  }
0xb7: {  	[sflag:s29] =	ssyncadd.s32 $0xFFFFFFFF  }
0xb8: {  	_ =	strace $0x90000048  }
0xb9: {  	_ =	sfence  }
0xba: {  	s30 =	sld [smem:$0x0];
	_ =	sdelay $0x2  }
0xbb: {  	s31 =	sshll.u32 s1, $0xD;
	s1 =	sshrl.u32 s1, $0x2  }
0xbc: {  	s3 =	sand.u32 $0x4000, s31;
	s1 =	sadd.s32 s1, s30  }
0xbd: {  	s0 =	sor.u32 s3, s0;
	s1 =	sshll.u32 s1, $0x11  }
0xbe: {  	s0 =	sor.u32 s1, s0  }
0xbf: {  	s0 =	sadd.s32 $0x8F2B, s0  }
0xc0: {  	[sflag:s0] =	ssyncadd.remote.s32 $0x1  }
0xc1: {  	_ =	sfence.sel $0xFFFF  }
0xc2: {  	[dreg:$0x0] =	wrdreg $0xFFFFFFFF;
	(pc) =	sbr.abs _section_cstart, $3  }
0xc3: {  	[dreg:$0x1] =	wrdreg $0xFFFFFFFF  }
0xc4: {  	_ =	task.clear_ibuf [dreg:s9], $0x2FFFF;
	_ =	strace $0x9FFFFFFF  }
0xc5: {  	(tm) =	ssettm $0x7FFFFFFF  }
tec
execute0_lowered:
.L_overlay_start_1:
0x0: {  	(tag) =	ssettag $0x1  }
0x1: {  	s0 =	rddreg [dreg:$0x0]  }
0x2: {  	s2 =	rddreg [dreg:$0x1]  }
0x3: {  	s1 =	rddreg [dreg:$0x2];
	s3 =	srdreg.scid  }
0x4: {  	s6 =	stileid.u32;
	s25 =	simm.s32 $0x80;
	s26 =	simm.s32 $0x200  }
0x5: {  	s4 =	sand.u32 $0x1, s3;
	s5 =	sshll.u32 s6, $0x1;
	s6 =	sshll.u32 s6, $0x2  }
0x6: {  	s3 =	simm.s32 $0x0;
	s5 =	sor.u32 s4, s5;
	s6 =	sand.u32 $0x30, s6  }
0x7: {  	[smem:$0x7FF] =	sst s3;
	s7 =	sshll.u32 s5, $0x7;
	s0 =	sadd.s32 s0, s6  }
0x8: {  	s5 =	sshll.u32 s5, $0xF;
	_ =	strace $0x80000047;
	[dreg:$0x14] =	wrdreg s25  }
0x9: {  	[dreg:$0x15] =	wrdreg s26;
	s7 =	sand.u32 $0x380, s7;
	s8 =	sadd.s32 s1, s5  }
0xa: {  	s0 =	sadd.s32 s7, s0;
	[dreg:$0x16] =	wrdreg s8  }
0xb: {  	s9 =	sadd.s32 $0x800, s8;
	[dreg:$0x4] =	wrdreg s0  }
0xc: {  	s10 =	sadd.s32 $0x1000, s8;
	[dreg:$0x5] =	wrdreg s9  }
0xd: {  	s11 =	sadd.s32 $0x1800, s8;
	[dreg:$0x6] =	wrdreg s10  }
0xe: {  	s28 =	simm.s32 $0x4;
	s12 =	sadd.s32 $0x2000, s8;
	[dreg:$0x7] =	wrdreg s11  }
0xf: {  	s29 =	simm.s32 $0x9;
	s13 =	sadd.s32 $0x2800, s8;
	[dreg:$0x8] =	wrdreg s12  }
0x10: {  	s31 =	simm.s32 $0xA;
	s14 =	sadd.s32 $0x3000, s8;
	[dreg:$0x9] =	wrdreg s13  }
0x11: {  	s30 =	simm.s32 $0x8100;
	s15 =	sadd.s32 $0x3800, s8;
	[dreg:$0xa] =	wrdreg s14  }
0x12: {  	s20 =	ssub.s32 $0x2, s4;
	s16 =	sadd.s32 $0x4000, s8;
	[dreg:$0xb] =	wrdreg s15  }
0x13: {  	s4 =	sshrl.u32 s20, $0x1;
	s17 =	sadd.s32 $0x4800, s8;
	[dreg:$0xc] =	wrdreg s16  }
0x14: {  	s6 =	sadd.s32 $0x200, s2;
	s18 =	sadd.s32 $0x5000, s8;
	[dreg:$0xd] =	wrdreg s17  }
0x15: {  	s25 =	simm.s32 $0x8;
	s19 =	sadd.s32 $0x5800, s8;
	[dreg:$0xe] =	wrdreg s18  }
0x16: {  	s26 =	simm.s32 $0x4100;
	s21 =	sadd.s32 $0x6000, s8;
	[dreg:$0xf] =	wrdreg s19  }
0x17: {  	s1 =	ssub.s32 s20, s4;
	s22 =	sadd.s32 $0x6800, s8;
	[dreg:$0x10] =	wrdreg s21  }
0x18: {  	s5 =	sadd.s32 $0x100, s2;
	s23 =	sadd.s32 $0x7000, s8;
	[dreg:$0x11] =	wrdreg s22  }
0x19: {  	s20 =	simm.s32 $0x10900;
	s24 =	sadd.s32 $0x7800, s8;
	[dreg:$0x12] =	wrdreg s23  }
0x1a: {  	s7 =	sadd.s32 $0x300, s2;
	s8 =	smax.u32 s1, $0x1;
	[dreg:$0x13] =	wrdreg s24  }
0x1b: {  	s21 =	simm.s32 $0x1;
	s22 =	simm.s32 $0x2;
	s23 =	simm.s32 $0x7  }
0x1c: {  	v2 =	vlaneseq.u32;
	s24 =	simm.s32 $0x3;
	s18 =	simm.s32 $0x100;
	s9 =	simm.s32 $0xC100  }
0x1d: {  	vm0 =	vmmov $0xffff;
	v1 =	vshrl.u32 v2, $0x3;
	s10 =	simm.s32 $0x10100;
	s15 =	simm.s32 $0x11100;
	s16 =	simm.s32 $0x11900  }
0x1e: {  	v0 =	vand.u32 $0x7, v2;
	v2 =	vor.u32 $0x8, v2;
	v1 =	vmul.u32 $0x8, v1;
	s17 =	simm.s32 $0x12100;
	s14 =	simm.s32 $0x13900;
	s19 =	simm.s32 $0x14100  }
.LBB2_1:
0x1f: {  	s11 =	rddreg [dreg:$0x4]  }
0x20: {  	s12 =	rddreg [dreg:$0x14]  }
0x21: {  	s13 =	rddreg [dreg:$0x15]  }
0x22: {  	[tilespmem:s3], [sflag:$0xD] =	stream.strided.gather [hbm4b:s11+s12], $0x100, s13, s12, $0x38;
	[tilespmem:$0x18100] =	vst v63  }
0x23: {  	s12 =	simm.s32 $0xD  }
0x24: {  	_ =	swait.ge [sflag:s12], $0x100  }
0x25: {  	[sflag:s12] =	ssyncset.done $0x0  }
0x26: {  	[sflag:s12] =	ssyncadd.s32 $0xFFFFFF00  }
0x27: {  	v3 =	vld [tilespmem:$0x0];
	_ =	sdelay $0x4  }
0x28: {  	v4 =	vshll.u32 v3, $0x3  }
0x29: {  	v3 =	vand.u32 $0x7, v3;
	v4 =	vand.u32 $0xFFFFFFC0, v4  }
0x2a: {  	v3 =	vor.u32 v3, v4  }
0x2b: {  	v4 =	vperm.xlane v3, v0;
	_ =	sdelay $0x1  }
0x2c: {  	v4 =	vadd.s32 v1, v4;
	_ =	sdelay $0x4  }
0x2d: {  	[tilespmem:s18], [sflag:$0x1] =	stream.indirect_vreg.gather [hbm4b:s2+s3], $0x80, v4, vm0, $0xb8;
	[tilespmem:$0x18100] =	vst v63  }
0x2e: {  	s0 =	simm.s32 $0x900;
	v3 =	vperm.xlane v3, v2  }
0x2f: {  	[tilespmem:s0], [sflag:$0x1] =	stream.indirect_vreg.gather [hbm4b:s5+s3], $0x80, v4, vm0, $0xb8;
	[tilespmem:$0x18100] =	vst v63  }
0x30: {  	s13 =	simm.s32 $0x1100;
	v3 =	vadd.s32 v1, v3  }
0x31: {  	[tilespmem:s13], [sflag:$0x1] =	stream.indirect_vreg.gather [hbm4b:s6+s3], $0x80, v4, vm0, $0xb8;
	[tilespmem:$0x18100] =	vst v63  }
0x32: {  	s4 =	simm.s32 $0x1900  }
0x33: {  	[tilespmem:s4], [sflag:$0x1] =	stream.indirect_vreg.gather [hbm4b:s7+s3], $0x80, v4, vm0, $0xb8;
	[tilespmem:$0x18100] =	vst v63  }
0x34: {  	s11 =	simm.s32 $0x2100  }
0x35: {  	[tilespmem:s11], [sflag:$0x1] =	stream.indirect_vreg.gather [hbm4b:s2+s3], $0x80, v3, vm0, $0xb8;
	[tilespmem:$0x18100] =	vst v63  }
0x36: {  	s12 =	simm.s32 $0x2900  }
0x37: {  	[tilespmem:s12], [sflag:$0x1] =	stream.indirect_vreg.gather [hbm4b:s5+s3], $0x80, v3, vm0, $0xb8;
	[tilespmem:$0x18100] =	vst v63  }
0x38: {  	s13 =	simm.s32 $0x3100  }
0x39: {  	[tilespmem:s13], [sflag:$0x1] =	stream.indirect_vreg.gather [hbm4b:s6+s3], $0x80, v3, vm0, $0xb8;
	[tilespmem:$0x18100] =	vst v63  }
0x3a: {  	s4 =	simm.s32 $0x3900  }
0x3b: {  	[tilespmem:s4], [sflag:$0x1] =	stream.indirect_vreg.gather [hbm4b:s7+s3], $0x80, v3, vm0, $0xb8;
	[tilespmem:$0x18100] =	vst v63  }
0x3c: {  	v3 =	vld [tilespmem:$0x10];
	_ =	sdelay $0x4  }
0x3d: {  	v49 =	vshll.u32 v3, $0x3  }
0x3e: {  	v3 =	vand.u32 $0x7, v3;
	v4 =	vand.u32 $0xFFFFFFC0, v49  }
0x3f: {  	v3 =	vor.u32 v3, v4  }
0x40: {  	v4 =	vperm.xlane v3, v0;
	_ =	sdelay $0x1  }
0x41: {  	v4 =	vadd.s32 v1, v4;
	_ =	sdelay $0x4  }
0x42: {  	[tilespmem:s26], [sflag:$0x2] =	stream.indirect_vreg.gather [hbm4b:s2+s3], $0x80, v4, vm0, $0xb8;
	[tilespmem:$0x18100] =	vst v63  }
0x43: {  	s11 =	simm.s32 $0x4900;
	v3 =	vperm.xlane v3, v2  }
0x44: {  	[tilespmem:s11], [sflag:$0x2] =	stream.indirect_vreg.gather [hbm4b:s5+s3], $0x80, v4, vm0, $0xb8;
	[tilespmem:$0x18100] =	vst v63  }
0x45: {  	s12 =	simm.s32 $0x5100;
	v3 =	vadd.s32 v1, v3  }
0x46: {  	[tilespmem:s12], [sflag:$0x2] =	stream.indirect_vreg.gather [hbm4b:s6+s3], $0x80, v4, vm0, $0xb8;
	[tilespmem:$0x18100] =	vst v63  }
0x47: {  	s13 =	simm.s32 $0x5900  }
0x48: {  	[tilespmem:s13], [sflag:$0x2] =	stream.indirect_vreg.gather [hbm4b:s7+s3], $0x80, v4, vm0, $0xb8;
	[tilespmem:$0x18100] =	vst v63  }
0x49: {  	s11 =	simm.s32 $0x6100  }
0x4a: {  	[tilespmem:s11], [sflag:$0x2] =	stream.indirect_vreg.gather [hbm4b:s2+s3], $0x80, v3, vm0, $0xb8;
	[tilespmem:$0x18100] =	vst v63  }
0x4b: {  	s12 =	simm.s32 $0x6900  }
0x4c: {  	[tilespmem:s12], [sflag:$0x2] =	stream.indirect_vreg.gather [hbm4b:s5+s3], $0x80, v3, vm0, $0xb8;
	[tilespmem:$0x18100] =	vst v63  }
0x4d: {  	s13 =	simm.s32 $0x7100  }
0x4e: {  	[tilespmem:s13], [sflag:$0x2] =	stream.indirect_vreg.gather [hbm4b:s6+s3], $0x80, v3, vm0, $0xb8;
	[tilespmem:$0x18100] =	vst v63  }
0x4f: {  	s11 =	simm.s32 $0x7900  }
0x50: {  	[tilespmem:s11], [sflag:$0x2] =	stream.indirect_vreg.gather [hbm4b:s7+s3], $0x80, v3, vm0, $0xb8;
	[tilespmem:$0x18100] =	vst v63  }
0x51: {  	v3 =	vld [tilespmem:$0x20];
	_ =	sdelay $0x4  }
0x52: {  	v50 =	vshll.u32 v3, $0x3  }
0x53: {  	v3 =	vand.u32 $0x7, v3;
	v4 =	vand.u32 $0xFFFFFFC0, v50  }
0x54: {  	v3 =	vor.u32 v3, v4  }
0x55: {  	v4 =	vperm.xlane v3, v0;
	_ =	sdelay $0x1  }
0x56: {  	v4 =	vadd.s32 v1, v4;
	_ =	sdelay $0x4  }
0x57: {  	[tilespmem:s30], [sflag:$0x3] =	stream.indirect_vreg.gather [hbm4b:s2+s3], $0x80, v4, vm0, $0xb8;
	[tilespmem:$0x18100] =	vst v63  }
0x58: {  	s12 =	simm.s32 $0x8900;
	v3 =	vperm.xlane v3, v2  }
0x59: {  	[tilespmem:s12], [sflag:$0x3] =	stream.indirect_vreg.gather [hbm4b:s5+s3], $0x80, v4, vm0, $0xb8;
	[tilespmem:$0x18100] =	vst v63  }
0x5a: {  	s13 =	simm.s32 $0x9100;
	v3 =	vadd.s32 v1, v3  }
0x5b: {  	[tilespmem:s13], [sflag:$0x3] =	stream.indirect_vreg.gather [hbm4b:s6+s3], $0x80, v4, vm0, $0xb8;
	[tilespmem:$0x18100] =	vst v63  }
0x5c: {  	s11 =	simm.s32 $0x9900  }
0x5d: {  	[tilespmem:s11], [sflag:$0x3] =	stream.indirect_vreg.gather [hbm4b:s7+s3], $0x80, v4, vm0, $0xb8;
	[tilespmem:$0x18100] =	vst v63  }
0x5e: {  	s12 =	simm.s32 $0xA100  }
0x5f: {  	[tilespmem:s12], [sflag:$0x3] =	stream.indirect_vreg.gather [hbm4b:s2+s3], $0x80, v3, vm0, $0xb8;
	[tilespmem:$0x18100] =	vst v63  }
0x60: {  	s13 =	simm.s32 $0xA900  }
0x61: {  	[tilespmem:s13], [sflag:$0x3] =	stream.indirect_vreg.gather [hbm4b:s5+s3], $0x80, v3, vm0, $0xb8;
	[tilespmem:$0x18100] =	vst v63  }
0x62: {  	s11 =	simm.s32 $0xB100  }
0x63: {  	[tilespmem:s11], [sflag:$0x3] =	stream.indirect_vreg.gather [hbm4b:s6+s3], $0x80, v3, vm0, $0xb8;
	[tilespmem:$0x18100] =	vst v63  }
0x64: {  	s12 =	simm.s32 $0xB900  }
0x65: {  	[tilespmem:s12], [sflag:$0x3] =	stream.indirect_vreg.gather [hbm4b:s7+s3], $0x80, v3, vm0, $0xb8;
	[tilespmem:$0x18100] =	vst v63  }
0x66: {  	v3 =	vld [tilespmem:$0x30];
	_ =	sdelay $0x4  }
0x67: {  	v51 =	vshll.u32 v3, $0x3  }
0x68: {  	v3 =	vand.u32 $0x7, v3;
	v4 =	vand.u32 $0xFFFFFFC0, v51  }
0x69: {  	v3 =	vor.u32 v3, v4  }
0x6a: {  	v4 =	vperm.xlane v3, v0;
	_ =	sdelay $0x1  }
0x6b: {  	v4 =	vadd.s32 v1, v4;
	_ =	sdelay $0x4  }
0x6c: {  	[tilespmem:s9], [sflag:$0x4] =	stream.indirect_vreg.gather [hbm4b:s2+s3], $0x80, v4, vm0, $0xb8;
	[tilespmem:$0x18100] =	vst v63  }
0x6d: {  	s13 =	simm.s32 $0xC900;
	v3 =	vperm.xlane v3, v2  }
0x6e: {  	[tilespmem:s13], [sflag:$0x4] =	stream.indirect_vreg.gather [hbm4b:s5+s3], $0x80, v4, vm0, $0xb8;
	[tilespmem:$0x18100] =	vst v63  }
0x6f: {  	s11 =	simm.s32 $0xD100;
	v3 =	vadd.s32 v1, v3  }
0x70: {  	[tilespmem:s11], [sflag:$0x4] =	stream.indirect_vreg.gather [hbm4b:s6+s3], $0x80, v4, vm0, $0xb8;
	[tilespmem:$0x18100] =	vst v63  }
0x71: {  	s12 =	simm.s32 $0xD900  }
0x72: {  	[tilespmem:s12], [sflag:$0x4] =	stream.indirect_vreg.gather [hbm4b:s7+s3], $0x80, v4, vm0, $0xb8;
	[tilespmem:$0x18100] =	vst v63  }
0x73: {  	s13 =	simm.s32 $0xE100  }
0x74: {  	[tilespmem:s13], [sflag:$0x4] =	stream.indirect_vreg.gather [hbm4b:s2+s3], $0x80, v3, vm0, $0xb8;
	[tilespmem:$0x18100] =	vst v63  }
0x75: {  	s11 =	simm.s32 $0xE900  }
0x76: {  	[tilespmem:s11], [sflag:$0x4] =	stream.indirect_vreg.gather [hbm4b:s5+s3], $0x80, v3, vm0, $0xb8;
	[tilespmem:$0x18100] =	vst v63  }
0x77: {  	s12 =	simm.s32 $0xF100  }
0x78: {  	[tilespmem:s12], [sflag:$0x4] =	stream.indirect_vreg.gather [hbm4b:s6+s3], $0x80, v3, vm0, $0xb8;
	[tilespmem:$0x18100] =	vst v63  }
0x79: {  	s13 =	simm.s32 $0xF900  }
0x7a: {  	[tilespmem:s13], [sflag:$0x4] =	stream.indirect_vreg.gather [hbm4b:s7+s3], $0x80, v3, vm0, $0xb8;
	[tilespmem:$0x18100] =	vst v63  }
0x7b: {  	v3 =	vld [tilespmem:$0x40];
	_ =	sdelay $0x4  }
0x7c: {  	v52 =	vshll.u32 v3, $0x3  }
0x7d: {  	v3 =	vand.u32 $0x7, v3;
	v4 =	vand.u32 $0xFFFFFFC0, v52  }
0x7e: {  	v3 =	vor.u32 v3, v4  }
0x7f: {  	v4 =	vperm.xlane v3, v0;
	_ =	sdelay $0x1  }
0x80: {  	v4 =	vadd.s32 v1, v4;
	_ =	sdelay $0x4  }
0x81: {  	[tilespmem:s10], [sflag:$0x5] =	stream.indirect_vreg.gather [hbm4b:s2+s3], $0x80, v4, vm0, $0xb8;
	[tilespmem:$0x18100] =	vst v63  }
0x82: {  	v3 =	vperm.xlane v3, v2  }
0x83: {  	[tilespmem:s20], [sflag:$0x5] =	stream.indirect_vreg.gather [hbm4b:s5+s3], $0x80, v4, vm0, $0xb8;
	[tilespmem:$0x18100] =	vst v63  }
0x84: {  	v3 =	vadd.s32 v1, v3  }
0x85: {  	[tilespmem:s15], [sflag:$0x5] =	stream.indirect_vreg.gather [hbm4b:s6+s3], $0x80, v4, vm0, $0xb8;
	[tilespmem:$0x18100] =	vst v63  }
0x86: {  	_ = 	snop  }
0x87: {  	[tilespmem:s16], [sflag:$0x5] =	stream.indirect_vreg.gather [hbm4b:s7+s3], $0x80, v4, vm0, $0xb8;
	[tilespmem:$0x18100] =	vst v63  }
0x88: {  	_ = 	snop  }
0x89: {  	[tilespmem:s17], [sflag:$0x5] =	stream.indirect_vreg.gather [hbm4b:s2+s3], $0x80, v3, vm0, $0xb8;
	[tilespmem:$0x18100] =	vst v63  }
0x8a: {  	s12 =	simm.s32 $0x12900  }
0x8b: {  	[tilespmem:s12], [sflag:$0x5] =	stream.indirect_vreg.gather [hbm4b:s5+s3], $0x80, v3, vm0, $0xb8;
	[tilespmem:$0x18100] =	vst v63  }
0x8c: {  	s13 =	simm.s32 $0x13100  }
0x8d: {  	[tilespmem:s13], [sflag:$0x5] =	stream.indirect_vreg.gather [hbm4b:s6+s3], $0x80, v3, vm0, $0xb8;
	[tilespmem:$0x18100] =	vst v63  }
0x8e: {  	_ = 	snop  }
0x8f: {  	[tilespmem:s14], [sflag:$0x5] =	stream.indirect_vreg.gather [hbm4b:s7+s3], $0x80, v3, vm0, $0xb8;
	[tilespmem:$0x18100] =	vst v63  }
0x90: {  	v3 =	vld [tilespmem:$0x50];
	_ =	sdelay $0x4  }
0x91: {  	v53 =	vshll.u32 v3, $0x3  }
0x92: {  	v3 =	vand.u32 $0x7, v3;
	v4 =	vand.u32 $0xFFFFFFC0, v53  }
0x93: {  	v3 =	vor.u32 v3, v4  }
0x94: {  	v4 =	vperm.xlane v3, v0;
	_ =	sdelay $0x1  }
0x95: {  	v4 =	vadd.s32 v1, v4;
	_ =	sdelay $0x4  }
0x96: {  	[tilespmem:s19], [sflag:$0x6] =	stream.indirect_vreg.gather [hbm4b:s2+s3], $0x80, v4, vm0, $0xb8;
	[tilespmem:$0x18100] =	vst v63  }
0x97: {  	s11 =	simm.s32 $0x14900;
	v3 =	vperm.xlane v3, v2  }
0x98: {  	[tilespmem:s11], [sflag:$0x6] =	stream.indirect_vreg.gather [hbm4b:s5+s3], $0x80, v4, vm0, $0xb8;
	[tilespmem:$0x18100] =	vst v63  }
0x99: {  	v3 =	vadd.s32 v1, v3;
	s11 =	simm.s32 $0x15100  }
0x9a: {  	[tilespmem:s11], [sflag:$0x6] =	stream.indirect_vreg.gather [hbm4b:s6+s3], $0x80, v4, vm0, $0xb8;
	[tilespmem:$0x18100] =	vst v63  }
0x9b: {  	s11 =	simm.s32 $0x15900  }
0x9c: {  	[tilespmem:s11], [sflag:$0x6] =	stream.indirect_vreg.gather [hbm4b:s7+s3], $0x80, v4, vm0, $0xb8;
	[tilespmem:$0x18100] =	vst v63  }
0x9d: {  	s11 =	simm.s32 $0x16100  }
0x9e: {  	[tilespmem:s11], [sflag:$0x6] =	stream.indirect_vreg.gather [hbm4b:s2+s3], $0x80, v3, vm0, $0xb8;
	[tilespmem:$0x18100] =	vst v63  }
0x9f: {  	s11 =	simm.s32 $0x16900  }
0xa0: {  	[tilespmem:s11], [sflag:$0x6] =	stream.indirect_vreg.gather [hbm4b:s5+s3], $0x80, v3, vm0, $0xb8;
	[tilespmem:$0x18100] =	vst v63  }
0xa1: {  	s11 =	simm.s32 $0x17100  }
0xa2: {  	[tilespmem:s11], [sflag:$0x6] =	stream.indirect_vreg.gather [hbm4b:s6+s3], $0x80, v3, vm0, $0xb8;
	[tilespmem:$0x18100] =	vst v63  }
0xa3: {  	s11 =	simm.s32 $0x17900  }
0xa4: {  	[tilespmem:s11], [sflag:$0x6] =	stream.indirect_vreg.gather [hbm4b:s7+s3], $0x80, v3, vm0, $0xb8;
	[tilespmem:$0x18100] =	vst v63  }
0xa5: {  	_ =	swait.ge [sflag:s21], $0x4000  }
0xa6: {  	[sflag:s21] =	ssyncset.done $0x0  }
0xa7: {  	s0 =	rddreg [dreg:$0x16];
	[sflag:s21] =	ssyncadd.s32 $0xFFFFC000  }
0xa8: {  	[hbm4b:s0+s3] =	stream.linear.scatter [tilespmem:s18], [sflag:$0x7], $0x4000, $0x38;
	[tilespmem:$0x18100] =	vst v63  }
0xa9: {  	_ =	swait.ge [sflag:s22], $0x4000  }
0xaa: {  	[sflag:s22] =	ssyncset.done $0x0  }
0xab: {  	s0 =	rddreg [dreg:$0x5];
	[sflag:s22] =	ssyncadd.s32 $0xFFFFC000  }
0xac: {  	[hbm4b:s0+s3] =	stream.linear.scatter [tilespmem:s26], [sflag:$0x8], $0x4000, $0x38;
	[tilespmem:$0x18100] =	vst v63  }
0xad: {  	_ =	swait.ge [sflag:s23], $0x4000  }
0xae: {  	[sflag:s23] =	ssyncset.done $0x0  }
0xaf: {  	[sflag:s23] =	ssyncadd.s32 $0xFFFFC000  }
0xb0: {  	v3 =	vld [tilespmem:$0x60];
	_ =	sdelay $0x4  }
0xb1: {  	v54 =	vshll.u32 v3, $0x3  }
0xb2: {  	v3 =	vand.u32 $0x7, v3;
	v4 =	vand.u32 $0xFFFFFFC0, v54  }
0xb3: {  	v3 =	vor.u32 v3, v4  }
0xb4: {  	v4 =	vperm.xlane v3, v0;
	_ =	sdelay $0x1  }
0xb5: {  	v4 =	vadd.s32 v1, v4;
	_ =	sdelay $0x4  }
0xb6: {  	[tilespmem:s18], [sflag:$0x1] =	stream.indirect_vreg.gather [hbm4b:s2+s3], $0x80, v4, vm0, $0xb8;
	[tilespmem:$0x18100] =	vst v63  }
0xb7: {  	s1 =	simm.s32 $0x900;
	v3 =	vperm.xlane v3, v2  }
0xb8: {  	[tilespmem:s1], [sflag:$0x1] =	stream.indirect_vreg.gather [hbm4b:s5+s3], $0x80, v4, vm0, $0xb8;
	[tilespmem:$0x18100] =	vst v63  }
0xb9: {  	v3 =	vadd.s32 v1, v3;
	s1 =	simm.s32 $0x1100  }
0xba: {  	[tilespmem:s1], [sflag:$0x1] =	stream.indirect_vreg.gather [hbm4b:s6+s3], $0x80, v4, vm0, $0xb8;
	[tilespmem:$0x18100] =	vst v63  }
0xbb: {  	s11 =	simm.s32 $0x1900  }
0xbc: {  	[tilespmem:s11], [sflag:$0x1] =	stream.indirect_vreg.gather [hbm4b:s7+s3], $0x80, v4, vm0, $0xb8;
	[tilespmem:$0x18100] =	vst v63  }
0xbd: {  	s1 =	simm.s32 $0x2100  }
0xbe: {  	[tilespmem:s1], [sflag:$0x1] =	stream.indirect_vreg.gather [hbm4b:s2+s3], $0x80, v3, vm0, $0xb8;
	[tilespmem:$0x18100] =	vst v63  }
0xbf: {  	s11 =	simm.s32 $0x2900  }
0xc0: {  	[tilespmem:s11], [sflag:$0x1] =	stream.indirect_vreg.gather [hbm4b:s5+s3], $0x80, v3, vm0, $0xb8;
	[tilespmem:$0x18100] =	vst v63  }
0xc1: {  	s1 =	simm.s32 $0x3100  }
0xc2: {  	[tilespmem:s1], [sflag:$0x1] =	stream.indirect_vreg.gather [hbm4b:s6+s3], $0x80, v3, vm0, $0xb8;
	[tilespmem:$0x18100] =	vst v63  }
0xc3: {  	s4 =	simm.s32 $0x3900  }
0xc4: {  	[tilespmem:s4], [sflag:$0x1] =	stream.indirect_vreg.gather [hbm4b:s7+s3], $0x80, v3, vm0, $0xb8;
	[tilespmem:$0x18100] =	vst v63  }
0xc5: {  	_ =	swait.ge [sflag:s24], $0x4000  }
0xc6: {  	[sflag:s24] =	ssyncset.done $0x0  }
0xc7: {  	s4 =	rddreg [dreg:$0x6];
	[sflag:s24] =	ssyncadd.s32 $0xFFFFC000  }
0xc8: {  	[hbm4b:s4+s3] =	stream.linear.scatter [tilespmem:s30], [sflag:$0x9], $0x4000, $0x38;
	[tilespmem:$0x18100] =	vst v63  }
0xc9: {  	_ =	swait.ge [sflag:s25], $0x4000  }
0xca: {  	[sflag:s25] =	ssyncset.done $0x0  }
0xcb: {  	[sflag:s25] =	ssyncadd.s32 $0xFFFFC000  }
0xcc: {  	v3 =	vld [tilespmem:$0x70];
	_ =	sdelay $0x4  }
0xcd: {  	v55 =	vshll.u32 v3, $0x3  }
0xce: {  	v3 =	vand.u32 $0x7, v3;
	v4 =	vand.u32 $0xFFFFFFC0, v55  }
0xcf: {  	v3 =	vor.u32 v3, v4  }
0xd0: {  	v4 =	vperm.xlane v3, v0;
	_ =	sdelay $0x1  }
0xd1: {  	v4 =	vadd.s32 v1, v4;
	_ =	sdelay $0x4  }
0xd2: {  	[tilespmem:s26], [sflag:$0x2] =	stream.indirect_vreg.gather [hbm4b:s2+s3], $0x80, v4, vm0, $0xb8;
	[tilespmem:$0x18100] =	vst v63  }
0xd3: {  	s11 =	simm.s32 $0x4900;
	v3 =	vperm.xlane v3, v2  }
0xd4: {  	[tilespmem:s11], [sflag:$0x2] =	stream.indirect_vreg.gather [hbm4b:s5+s3], $0x80, v4, vm0, $0xb8;
	[tilespmem:$0x18100] =	vst v63  }
0xd5: {  	s1 =	simm.s32 $0x5100;
	v3 =	vadd.s32 v1, v3  }
0xd6: {  	[tilespmem:s1], [sflag:$0x2] =	stream.indirect_vreg.gather [hbm4b:s6+s3], $0x80, v4, vm0, $0xb8;
	[tilespmem:$0x18100] =	vst v63  }
0xd7: {  	s4 =	simm.s32 $0x5900  }
0xd8: {  	[tilespmem:s4], [sflag:$0x2] =	stream.indirect_vreg.gather [hbm4b:s7+s3], $0x80, v4, vm0, $0xb8;
	[tilespmem:$0x18100] =	vst v63  }
0xd9: {  	s11 =	simm.s32 $0x6100  }
0xda: {  	[tilespmem:s11], [sflag:$0x2] =	stream.indirect_vreg.gather [hbm4b:s2+s3], $0x80, v3, vm0, $0xb8;
	[tilespmem:$0x18100] =	vst v63  }
0xdb: {  	s1 =	simm.s32 $0x6900  }
0xdc: {  	[tilespmem:s1], [sflag:$0x2] =	stream.indirect_vreg.gather [hbm4b:s5+s3], $0x80, v3, vm0, $0xb8;
	[tilespmem:$0x18100] =	vst v63  }
0xdd: {  	s4 =	simm.s32 $0x7100  }
0xde: {  	[tilespmem:s4], [sflag:$0x2] =	stream.indirect_vreg.gather [hbm4b:s6+s3], $0x80, v3, vm0, $0xb8;
	[tilespmem:$0x18100] =	vst v63  }
0xdf: {  	s11 =	simm.s32 $0x7900  }
0xe0: {  	[tilespmem:s11], [sflag:$0x2] =	stream.indirect_vreg.gather [hbm4b:s7+s3], $0x80, v3, vm0, $0xb8;
	[tilespmem:$0x18100] =	vst v63  }
0xe1: {  	_ =	swait.ge [sflag:s28], $0x4000  }
0xe2: {  	[sflag:s28] =	ssyncset.done $0x0  }
0xe3: {  	s0 =	rddreg [dreg:$0x7];
	[sflag:s28] =	ssyncadd.s32 $0xFFFFC000  }
0xe4: {  	[hbm4b:s0+s3] =	stream.linear.scatter [tilespmem:s9], [sflag:$0xA], $0x4000, $0x38;
	[tilespmem:$0x18100] =	vst v63  }
0xe5: {  	_ =	swait.ge [sflag:s29], $0x4000  }
0xe6: {  	[sflag:s29] =	ssyncset.done $0x0  }
0xe7: {  	[sflag:s29] =	ssyncadd.s32 $0xFFFFC000  }
0xe8: {  	v3 =	vld [tilespmem:$0x80];
	_ =	sdelay $0x4  }
0xe9: {  	v56 =	vshll.u32 v3, $0x3  }
0xea: {  	v3 =	vand.u32 $0x7, v3;
	v4 =	vand.u32 $0xFFFFFFC0, v56  }
0xeb: {  	v3 =	vor.u32 v3, v4  }
0xec: {  	v4 =	vperm.xlane v3, v0;
	_ =	sdelay $0x1  }
0xed: {  	v4 =	vadd.s32 v1, v4;
	_ =	sdelay $0x4  }
0xee: {  	[tilespmem:s30], [sflag:$0x3] =	stream.indirect_vreg.gather [hbm4b:s2+s3], $0x80, v4, vm0, $0xb8;
	[tilespmem:$0x18100] =	vst v63  }
0xef: {  	s1 =	simm.s32 $0x8900;
	v3 =	vperm.xlane v3, v2  }
0xf0: {  	[tilespmem:s1], [sflag:$0x3] =	stream.indirect_vreg.gather [hbm4b:s5+s3], $0x80, v4, vm0, $0xb8;
	[tilespmem:$0x18100] =	vst v63  }
0xf1: {  	s4 =	simm.s32 $0x9100;
	v3 =	vadd.s32 v1, v3  }
0xf2: {  	[tilespmem:s4], [sflag:$0x3] =	stream.indirect_vreg.gather [hbm4b:s6+s3], $0x80, v4, vm0, $0xb8;
	[tilespmem:$0x18100] =	vst v63  }
0xf3: {  	s11 =	simm.s32 $0x9900  }
0xf4: {  	[tilespmem:s11], [sflag:$0x3] =	stream.indirect_vreg.gather [hbm4b:s7+s3], $0x80, v4, vm0, $0xb8;
	[tilespmem:$0x18100] =	vst v63  }
0xf5: {  	s1 =	simm.s32 $0xA100  }
0xf6: {  	[tilespmem:s1], [sflag:$0x3] =	stream.indirect_vreg.gather [hbm4b:s2+s3], $0x80, v3, vm0, $0xb8;
	[tilespmem:$0x18100] =	vst v63  }
0xf7: {  	s4 =	simm.s32 $0xA900  }
0xf8: {  	[tilespmem:s4], [sflag:$0x3] =	stream.indirect_vreg.gather [hbm4b:s5+s3], $0x80, v3, vm0, $0xb8;
	[tilespmem:$0x18100] =	vst v63  }
0xf9: {  	s11 =	simm.s32 $0xB100  }
0xfa: {  	[tilespmem:s11], [sflag:$0x3] =	stream.indirect_vreg.gather [hbm4b:s6+s3], $0x80, v3, vm0, $0xb8;
	[tilespmem:$0x18100] =	vst v63  }
0xfb: {  	s0 =	simm.s32 $0x5;
	s1 =	simm.s32 $0xB900  }
0xfc: {  	[tilespmem:s1], [sflag:$0x3] =	stream.indirect_vreg.gather [hbm4b:s7+s3], $0x80, v3, vm0, $0xb8;
	[tilespmem:$0x18100] =	vst v63  }
0xfd: {  	_ =	swait.ge [sflag:s0], $0x4000  }
0xfe: {  	[sflag:s0] =	ssyncset.done $0x0  }
0xff: {  	s4 =	rddreg [dreg:$0x8];
	[sflag:s0] =	ssyncadd.s32 $0xFFFFC000  }
0x100: {  	[hbm4b:s4+s3] =	stream.linear.scatter [tilespmem:s10], [sflag:$0xB], $0x4000, $0x38;
	[tilespmem:$0x18100] =	vst v63  }
0x101: {  	_ =	swait.ge [sflag:s31], $0x4000  }
0x102: {  	[sflag:s31] =	ssyncset.done $0x0  }
0x103: {  	[sflag:s31] =	ssyncadd.s32 $0xFFFFC000  }
0x104: {  	v3 =	vld [tilespmem:$0x90];
	_ =	sdelay $0x4  }
0x105: {  	v57 =	vshll.u32 v3, $0x3  }
0x106: {  	v3 =	vand.u32 $0x7, v3;
	v4 =	vand.u32 $0xFFFFFFC0, v57  }
0x107: {  	v3 =	vor.u32 v3, v4  }
0x108: {  	v4 =	vperm.xlane v3, v0;
	_ =	sdelay $0x1  }
0x109: {  	v4 =	vadd.s32 v1, v4;
	_ =	sdelay $0x4  }
0x10a: {  	[tilespmem:s9], [sflag:$0x4] =	stream.indirect_vreg.gather [hbm4b:s2+s3], $0x80, v4, vm0, $0xb8;
	[tilespmem:$0x18100] =	vst v63  }
0x10b: {  	s11 =	simm.s32 $0xC900;
	v3 =	vperm.xlane v3, v2  }
0x10c: {  	[tilespmem:s11], [sflag:$0x4] =	stream.indirect_vreg.gather [hbm4b:s5+s3], $0x80, v4, vm0, $0xb8;
	[tilespmem:$0x18100] =	vst v63  }
0x10d: {  	s4 =	simm.s32 $0xD100;
	v3 =	vadd.s32 v1, v3  }
0x10e: {  	[tilespmem:s4], [sflag:$0x4] =	stream.indirect_vreg.gather [hbm4b:s6+s3], $0x80, v4, vm0, $0xb8;
	[tilespmem:$0x18100] =	vst v63  }
0x10f: {  	s11 =	simm.s32 $0xD900  }
0x110: {  	[tilespmem:s11], [sflag:$0x4] =	stream.indirect_vreg.gather [hbm4b:s7+s3], $0x80, v4, vm0, $0xb8;
	[tilespmem:$0x18100] =	vst v63  }
0x111: {  	s4 =	simm.s32 $0xE100  }
0x112: {  	[tilespmem:s4], [sflag:$0x4] =	stream.indirect_vreg.gather [hbm4b:s2+s3], $0x80, v3, vm0, $0xb8;
	[tilespmem:$0x18100] =	vst v63  }
0x113: {  	s11 =	simm.s32 $0xE900  }
0x114: {  	[tilespmem:s11], [sflag:$0x4] =	stream.indirect_vreg.gather [hbm4b:s5+s3], $0x80, v3, vm0, $0xb8;
	[tilespmem:$0x18100] =	vst v63  }
0x115: {  	s4 =	simm.s32 $0xF100  }
0x116: {  	[tilespmem:s4], [sflag:$0x4] =	stream.indirect_vreg.gather [hbm4b:s6+s3], $0x80, v3, vm0, $0xb8;
	[tilespmem:$0x18100] =	vst v63  }
0x117: {  	s1 =	simm.s32 $0x6;
	s11 =	simm.s32 $0xF900  }
0x118: {  	[tilespmem:s11], [sflag:$0x4] =	stream.indirect_vreg.gather [hbm4b:s7+s3], $0x80, v3, vm0, $0xb8;
	[tilespmem:$0x18100] =	vst v63  }
0x119: {  	_ =	swait.ge [sflag:s1], $0x4000  }
0x11a: {  	[sflag:s1] =	ssyncset.done $0x0  }
0x11b: {  	s4 =	rddreg [dreg:$0x9];
	[sflag:s1] =	ssyncadd.s32 $0xFFFFC000  }
0x11c: {  	[hbm4b:s4+s3] =	stream.linear.scatter [tilespmem:s19], [sflag:$0xC], $0x4000, $0x38;
	[tilespmem:$0x18100] =	vst v63  }
0x11d: {  	s4 =	simm.s32 $0xB  }
0x11e: {  	_ =	swait.ge [sflag:s4], $0x4000  }
0x11f: {  	[sflag:s4] =	ssyncset.done $0x0  }
0x120: {  	[sflag:s4] =	ssyncadd.s32 $0xFFFFC000  }
0x121: {  	v3 =	vld [tilespmem:$0xA0];
	_ =	sdelay $0x4  }
0x122: {  	v58 =	vshll.u32 v3, $0x3  }
0x123: {  	v3 =	vand.u32 $0x7, v3;
	v4 =	vand.u32 $0xFFFFFFC0, v58  }
0x124: {  	v3 =	vor.u32 v3, v4  }
0x125: {  	v4 =	vperm.xlane v3, v0;
	_ =	sdelay $0x1  }
0x126: {  	v4 =	vadd.s32 v1, v4;
	_ =	sdelay $0x4  }
0x127: {  	[tilespmem:s10], [sflag:$0x5] =	stream.indirect_vreg.gather [hbm4b:s2+s3], $0x80, v4, vm0, $0xb8;
	[tilespmem:$0x18100] =	vst v63  }
0x128: {  	v3 =	vperm.xlane v3, v2  }
0x129: {  	[tilespmem:s20], [sflag:$0x5] =	stream.indirect_vreg.gather [hbm4b:s5+s3], $0x80, v4, vm0, $0xb8;
	[tilespmem:$0x18100] =	vst v63  }
0x12a: {  	v3 =	vadd.s32 v1, v3  }
0x12b: {  	[tilespmem:s15], [sflag:$0x5] =	stream.indirect_vreg.gather [hbm4b:s6+s3], $0x80, v4, vm0, $0xb8;
	[tilespmem:$0x18100] =	vst v63  }
0x12c: {  	_ = 	snop  }
0x12d: {  	[tilespmem:s16], [sflag:$0x5] =	stream.indirect_vreg.gather [hbm4b:s7+s3], $0x80, v4, vm0, $0xb8;
	[tilespmem:$0x18100] =	vst v63  }
0x12e: {  	_ = 	snop  }
0x12f: {  	[tilespmem:s17], [sflag:$0x5] =	stream.indirect_vreg.gather [hbm4b:s2+s3], $0x80, v3, vm0, $0xb8;
	[tilespmem:$0x18100] =	vst v63  }
0x130: {  	_ = 	snop  }
0x131: {  	[tilespmem:s12], [sflag:$0x5] =	stream.indirect_vreg.gather [hbm4b:s5+s3], $0x80, v3, vm0, $0xb8;
	[tilespmem:$0x18100] =	vst v63  }
0x132: {  	_ = 	snop  }
0x133: {  	[tilespmem:s13], [sflag:$0x5] =	stream.indirect_vreg.gather [hbm4b:s6+s3], $0x80, v3, vm0, $0xb8;
	[tilespmem:$0x18100] =	vst v63  }
0x134: {  	_ = 	snop  }
0x135: {  	[tilespmem:s14], [sflag:$0x5] =	stream.indirect_vreg.gather [hbm4b:s7+s3], $0x80, v3, vm0, $0xb8;
	[tilespmem:$0x18100] =	vst v63  }
0x136: {  	_ =	swait.ge [sflag:s21], $0x4000  }
0x137: {  	[sflag:s21] =	ssyncset.done $0x0  }
0x138: {  	s12 =	rddreg [dreg:$0xa];
	[sflag:s21] =	ssyncadd.s32 $0xFFFFC000  }
0x139: {  	[hbm4b:s12+s3] =	stream.linear.scatter [tilespmem:s18], [sflag:$0x7], $0x4000, $0x38;
	[tilespmem:$0x18100] =	vst v63  }
0x13a: {  	s12 =	simm.s32 $0xC  }
0x13b: {  	_ =	swait.ge [sflag:s12], $0x4000  }
0x13c: {  	[sflag:s12] =	ssyncset.done $0x0  }
0x13d: {  	[sflag:s12] =	ssyncadd.s32 $0xFFFFC000  }
0x13e: {  	v3 =	vld [tilespmem:$0xB0];
	_ =	sdelay $0x4  }
0x13f: {  	v59 =	vshll.u32 v3, $0x3  }
0x140: {  	v3 =	vand.u32 $0x7, v3;
	v4 =	vand.u32 $0xFFFFFFC0, v59  }
0x141: {  	v3 =	vor.u32 v3, v4  }
0x142: {  	v4 =	vperm.xlane v3, v0;
	_ =	sdelay $0x1  }
0x143: {  	v4 =	vadd.s32 v1, v4;
	_ =	sdelay $0x4  }
0x144: {  	[tilespmem:s19], [sflag:$0x6] =	stream.indirect_vreg.gather [hbm4b:s2+s3], $0x80, v4, vm0, $0xb8;
	[tilespmem:$0x18100] =	vst v63  }
0x145: {  	s13 =	simm.s32 $0x14900;
	v3 =	vperm.xlane v3, v2  }
0x146: {  	[tilespmem:s13], [sflag:$0x6] =	stream.indirect_vreg.gather [hbm4b:s5+s3], $0x80, v4, vm0, $0xb8;
	[tilespmem:$0x18100] =	vst v63  }
0x147: {  	v3 =	vadd.s32 v1, v3;
	s13 =	simm.s32 $0x15100  }
0x148: {  	[tilespmem:s13], [sflag:$0x6] =	stream.indirect_vreg.gather [hbm4b:s6+s3], $0x80, v4, vm0, $0xb8;
	[tilespmem:$0x18100] =	vst v63  }
0x149: {  	s13 =	simm.s32 $0x15900  }
0x14a: {  	[tilespmem:s13], [sflag:$0x6] =	stream.indirect_vreg.gather [hbm4b:s7+s3], $0x80, v4, vm0, $0xb8;
	[tilespmem:$0x18100] =	vst v63  }
0x14b: {  	s13 =	simm.s32 $0x16100  }
0x14c: {  	[tilespmem:s13], [sflag:$0x6] =	stream.indirect_vreg.gather [hbm4b:s2+s3], $0x80, v3, vm0, $0xb8;
	[tilespmem:$0x18100] =	vst v63  }
0x14d: {  	s13 =	simm.s32 $0x16900  }
0x14e: {  	[tilespmem:s13], [sflag:$0x6] =	stream.indirect_vreg.gather [hbm4b:s5+s3], $0x80, v3, vm0, $0xb8;
	[tilespmem:$0x18100] =	vst v63  }
0x14f: {  	s13 =	simm.s32 $0x17100  }
0x150: {  	[tilespmem:s13], [sflag:$0x6] =	stream.indirect_vreg.gather [hbm4b:s6+s3], $0x80, v3, vm0, $0xb8;
	[tilespmem:$0x18100] =	vst v63  }
0x151: {  	s13 =	simm.s32 $0x17900  }
0x152: {  	[tilespmem:s13], [sflag:$0x6] =	stream.indirect_vreg.gather [hbm4b:s7+s3], $0x80, v3, vm0, $0xb8;
	[tilespmem:$0x18100] =	vst v63  }
0x153: {  	_ =	swait.ge [sflag:s22], $0x4000  }
0x154: {  	[sflag:s22] =	ssyncset.done $0x0  }
0x155: {  	s13 =	rddreg [dreg:$0xb];
	[sflag:s22] =	ssyncadd.s32 $0xFFFFC000  }
0x156: {  	[hbm4b:s13+s3] =	stream.linear.scatter [tilespmem:s26], [sflag:$0x8], $0x4000, $0x38;
	[tilespmem:$0x18100] =	vst v63  }
0x157: {  	_ =	swait.ge [sflag:s23], $0x4000  }
0x158: {  	[sflag:s23] =	ssyncset.done $0x0  }
0x159: {  	[sflag:s23] =	ssyncadd.s32 $0xFFFFC000  }
0x15a: {  	v3 =	vld [tilespmem:$0xC0];
	_ =	sdelay $0x4  }
0x15b: {  	v60 =	vshll.u32 v3, $0x3  }
0x15c: {  	v3 =	vand.u32 $0x7, v3;
	v4 =	vand.u32 $0xFFFFFFC0, v60  }
0x15d: {  	v3 =	vor.u32 v3, v4  }
0x15e: {  	v4 =	vperm.xlane v3, v0;
	_ =	sdelay $0x1  }
0x15f: {  	v4 =	vadd.s32 v1, v4;
	_ =	sdelay $0x4  }
0x160: {  	[tilespmem:s18], [sflag:$0x1] =	stream.indirect_vreg.gather [hbm4b:s2+s3], $0x80, v4, vm0, $0xb8;
	[tilespmem:$0x18100] =	vst v63  }
0x161: {  	s13 =	simm.s32 $0x900;
	v3 =	vperm.xlane v3, v2  }
0x162: {  	[tilespmem:s13], [sflag:$0x1] =	stream.indirect_vreg.gather [hbm4b:s5+s3], $0x80, v4, vm0, $0xb8;
	[tilespmem:$0x18100] =	vst v63  }
0x163: {  	v3 =	vadd.s32 v1, v3;
	s13 =	simm.s32 $0x1100  }
0x164: {  	[tilespmem:s13], [sflag:$0x1] =	stream.indirect_vreg.gather [hbm4b:s6+s3], $0x80, v4, vm0, $0xb8;
	[tilespmem:$0x18100] =	vst v63  }
0x165: {  	s13 =	simm.s32 $0x1900  }
0x166: {  	[tilespmem:s13], [sflag:$0x1] =	stream.indirect_vreg.gather [hbm4b:s7+s3], $0x80, v4, vm0, $0xb8;
	[tilespmem:$0x18100] =	vst v63  }
0x167: {  	s13 =	simm.s32 $0x2100  }
0x168: {  	[tilespmem:s13], [sflag:$0x1] =	stream.indirect_vreg.gather [hbm4b:s2+s3], $0x80, v3, vm0, $0xb8;
	[tilespmem:$0x18100] =	vst v63  }
0x169: {  	s13 =	simm.s32 $0x2900  }
0x16a: {  	[tilespmem:s13], [sflag:$0x1] =	stream.indirect_vreg.gather [hbm4b:s5+s3], $0x80, v3, vm0, $0xb8;
	[tilespmem:$0x18100] =	vst v63  }
0x16b: {  	s13 =	simm.s32 $0x3100  }
0x16c: {  	[tilespmem:s13], [sflag:$0x1] =	stream.indirect_vreg.gather [hbm4b:s6+s3], $0x80, v3, vm0, $0xb8;
	[tilespmem:$0x18100] =	vst v63  }
0x16d: {  	s13 =	simm.s32 $0x3900  }
0x16e: {  	[tilespmem:s13], [sflag:$0x1] =	stream.indirect_vreg.gather [hbm4b:s7+s3], $0x80, v3, vm0, $0xb8;
	[tilespmem:$0x18100] =	vst v63  }
0x16f: {  	_ =	swait.ge [sflag:s24], $0x4000  }
0x170: {  	[sflag:s24] =	ssyncset.done $0x0  }
0x171: {  	s13 =	rddreg [dreg:$0xc];
	[sflag:s24] =	ssyncadd.s32 $0xFFFFC000  }
0x172: {  	[hbm4b:s13+s3] =	stream.linear.scatter [tilespmem:s30], [sflag:$0x9], $0x4000, $0x38;
	[tilespmem:$0x18100] =	vst v63  }
0x173: {  	_ =	swait.ge [sflag:s25], $0x4000  }
0x174: {  	[sflag:s25] =	ssyncset.done $0x0  }
0x175: {  	[sflag:s25] =	ssyncadd.s32 $0xFFFFC000  }
0x176: {  	v3 =	vld [tilespmem:$0xD0];
	_ =	sdelay $0x4  }
0x177: {  	v61 =	vshll.u32 v3, $0x3  }
0x178: {  	v3 =	vand.u32 $0x7, v3;
	v4 =	vand.u32 $0xFFFFFFC0, v61  }
0x179: {  	v3 =	vor.u32 v3, v4  }
0x17a: {  	v4 =	vperm.xlane v3, v0;
	_ =	sdelay $0x1  }
0x17b: {  	v4 =	vadd.s32 v1, v4;
	_ =	sdelay $0x4  }
0x17c: {  	[tilespmem:s26], [sflag:$0x2] =	stream.indirect_vreg.gather [hbm4b:s2+s3], $0x80, v4, vm0, $0xb8;
	[tilespmem:$0x18100] =	vst v63  }
0x17d: {  	s13 =	simm.s32 $0x4900;
	v3 =	vperm.xlane v3, v2  }
0x17e: {  	[tilespmem:s13], [sflag:$0x2] =	stream.indirect_vreg.gather [hbm4b:s5+s3], $0x80, v4, vm0, $0xb8;
	[tilespmem:$0x18100] =	vst v63  }
0x17f: {  	v3 =	vadd.s32 v1, v3;
	s13 =	simm.s32 $0x5100  }
0x180: {  	[tilespmem:s13], [sflag:$0x2] =	stream.indirect_vreg.gather [hbm4b:s6+s3], $0x80, v4, vm0, $0xb8;
	[tilespmem:$0x18100] =	vst v63  }
0x181: {  	s13 =	simm.s32 $0x5900  }
0x182: {  	[tilespmem:s13], [sflag:$0x2] =	stream.indirect_vreg.gather [hbm4b:s7+s3], $0x80, v4, vm0, $0xb8;
	[tilespmem:$0x18100] =	vst v63  }
0x183: {  	s13 =	simm.s32 $0x6100  }
0x184: {  	[tilespmem:s13], [sflag:$0x2] =	stream.indirect_vreg.gather [hbm4b:s2+s3], $0x80, v3, vm0, $0xb8;
	[tilespmem:$0x18100] =	vst v63  }
0x185: {  	s13 =	simm.s32 $0x6900  }
0x186: {  	[tilespmem:s13], [sflag:$0x2] =	stream.indirect_vreg.gather [hbm4b:s5+s3], $0x80, v3, vm0, $0xb8;
	[tilespmem:$0x18100] =	vst v63  }
0x187: {  	s13 =	simm.s32 $0x7100  }
0x188: {  	[tilespmem:s13], [sflag:$0x2] =	stream.indirect_vreg.gather [hbm4b:s6+s3], $0x80, v3, vm0, $0xb8;
	[tilespmem:$0x18100] =	vst v63  }
0x189: {  	s13 =	simm.s32 $0x7900  }
0x18a: {  	[tilespmem:s13], [sflag:$0x2] =	stream.indirect_vreg.gather [hbm4b:s7+s3], $0x80, v3, vm0, $0xb8;
	[tilespmem:$0x18100] =	vst v63  }
0x18b: {  	_ =	swait.ge [sflag:s28], $0x4000  }
0x18c: {  	[sflag:s28] =	ssyncset.done $0x0  }
0x18d: {  	s13 =	rddreg [dreg:$0xd];
	[sflag:s28] =	ssyncadd.s32 $0xFFFFC000  }
0x18e: {  	[hbm4b:s13+s3] =	stream.linear.scatter [tilespmem:s9], [sflag:$0xA], $0x4000, $0x38;
	[tilespmem:$0x18100] =	vst v63  }
0x18f: {  	_ =	swait.ge [sflag:s29], $0x4000  }
0x190: {  	[sflag:s29] =	ssyncset.done $0x0  }
0x191: {  	[sflag:s29] =	ssyncadd.s32 $0xFFFFC000  }
0x192: {  	v3 =	vld [tilespmem:$0xE0];
	_ =	sdelay $0x4  }
0x193: {  	v62 =	vshll.u32 v3, $0x3  }
0x194: {  	v3 =	vand.u32 $0x7, v3;
	v4 =	vand.u32 $0xFFFFFFC0, v62  }
0x195: {  	v3 =	vor.u32 v3, v4  }
0x196: {  	v4 =	vperm.xlane v3, v0;
	_ =	sdelay $0x1  }
0x197: {  	v4 =	vadd.s32 v1, v4;
	_ =	sdelay $0x4  }
0x198: {  	[tilespmem:s30], [sflag:$0x3] =	stream.indirect_vreg.gather [hbm4b:s2+s3], $0x80, v4, vm0, $0xb8;
	[tilespmem:$0x18100] =	vst v63  }
0x199: {  	s13 =	simm.s32 $0x8900;
	v3 =	vperm.xlane v3, v2  }
0x19a: {  	[tilespmem:s13], [sflag:$0x3] =	stream.indirect_vreg.gather [hbm4b:s5+s3], $0x80, v4, vm0, $0xb8;
	[tilespmem:$0x18100] =	vst v63  }
0x19b: {  	v3 =	vadd.s32 v1, v3;
	s13 =	simm.s32 $0x9100  }
0x19c: {  	[tilespmem:s13], [sflag:$0x3] =	stream.indirect_vreg.gather [hbm4b:s6+s3], $0x80, v4, vm0, $0xb8;
	[tilespmem:$0x18100] =	vst v63  }
0x19d: {  	s13 =	simm.s32 $0x9900  }
0x19e: {  	[tilespmem:s13], [sflag:$0x3] =	stream.indirect_vreg.gather [hbm4b:s7+s3], $0x80, v4, vm0, $0xb8;
	[tilespmem:$0x18100] =	vst v63  }
0x19f: {  	s13 =	simm.s32 $0xA100  }
0x1a0: {  	[tilespmem:s13], [sflag:$0x3] =	stream.indirect_vreg.gather [hbm4b:s2+s3], $0x80, v3, vm0, $0xb8;
	[tilespmem:$0x18100] =	vst v63  }
0x1a1: {  	s13 =	simm.s32 $0xA900  }
0x1a2: {  	[tilespmem:s13], [sflag:$0x3] =	stream.indirect_vreg.gather [hbm4b:s5+s3], $0x80, v3, vm0, $0xb8;
	[tilespmem:$0x18100] =	vst v63  }
0x1a3: {  	s13 =	simm.s32 $0xB100  }
0x1a4: {  	[tilespmem:s13], [sflag:$0x3] =	stream.indirect_vreg.gather [hbm4b:s6+s3], $0x80, v3, vm0, $0xb8;
	[tilespmem:$0x18100] =	vst v63  }
0x1a5: {  	s13 =	simm.s32 $0xB900  }
0x1a6: {  	[tilespmem:s13], [sflag:$0x3] =	stream.indirect_vreg.gather [hbm4b:s7+s3], $0x80, v3, vm0, $0xb8;
	[tilespmem:$0x18100] =	vst v63  }
0x1a7: {  	_ =	swait.ge [sflag:s0], $0x4000  }
0x1a8: {  	[sflag:s0] =	ssyncset.done $0x0  }
0x1a9: {  	s13 =	rddreg [dreg:$0xe];
	[sflag:s0] =	ssyncadd.s32 $0xFFFFC000  }
0x1aa: {  	[hbm4b:s13+s3] =	stream.linear.scatter [tilespmem:s10], [sflag:$0xB], $0x4000, $0x38;
	[tilespmem:$0x18100] =	vst v63  }
0x1ab: {  	_ =	swait.ge [sflag:s31], $0x4000  }
0x1ac: {  	[sflag:s31] =	ssyncset.done $0x0  }
0x1ad: {  	[sflag:s31] =	ssyncadd.s32 $0xFFFFC000  }
0x1ae: {  	v3 =	vld [tilespmem:$0xF0];
	_ =	sdelay $0x4  }
0x1af: {  	v63 =	vshll.u32 v3, $0x3  }
0x1b0: {  	v3 =	vand.u32 $0x7, v3;
	v4 =	vand.u32 $0xFFFFFFC0, v63  }
0x1b1: {  	v3 =	vor.u32 v3, v4  }
0x1b2: {  	v4 =	vperm.xlane v3, v0;
	_ =	sdelay $0x1  }
0x1b3: {  	v4 =	vadd.s32 v1, v4;
	_ =	sdelay $0x4  }
0x1b4: {  	[tilespmem:s9], [sflag:$0x4] =	stream.indirect_vreg.gather [hbm4b:s2+s3], $0x80, v4, vm0, $0xb8;
	[tilespmem:$0x18100] =	vst v63  }
0x1b5: {  	s13 =	simm.s32 $0xC900;
	v3 =	vperm.xlane v3, v2  }
0x1b6: {  	[tilespmem:s13], [sflag:$0x4] =	stream.indirect_vreg.gather [hbm4b:s5+s3], $0x80, v4, vm0, $0xb8;
	[tilespmem:$0x18100] =	vst v63  }
0x1b7: {  	s11 =	simm.s32 $0xD100;
	v3 =	vadd.s32 v1, v3  }
0x1b8: {  	[tilespmem:s11], [sflag:$0x4] =	stream.indirect_vreg.gather [hbm4b:s6+s3], $0x80, v4, vm0, $0xb8;
	[tilespmem:$0x18100] =	vst v63  }
0x1b9: {  	s13 =	simm.s32 $0xD900  }
0x1ba: {  	[tilespmem:s13], [sflag:$0x4] =	stream.indirect_vreg.gather [hbm4b:s7+s3], $0x80, v4, vm0, $0xb8;
	[tilespmem:$0x18100] =	vst v63  }
0x1bb: {  	s11 =	simm.s32 $0xE100  }
0x1bc: {  	[tilespmem:s11], [sflag:$0x4] =	stream.indirect_vreg.gather [hbm4b:s2+s3], $0x80, v3, vm0, $0xb8;
	[tilespmem:$0x18100] =	vst v63  }
0x1bd: {  	s13 =	simm.s32 $0xE900  }
0x1be: {  	[tilespmem:s13], [sflag:$0x4] =	stream.indirect_vreg.gather [hbm4b:s5+s3], $0x80, v3, vm0, $0xb8;
	[tilespmem:$0x18100] =	vst v63  }
0x1bf: {  	s11 =	simm.s32 $0xF100  }
0x1c0: {  	[tilespmem:s11], [sflag:$0x4] =	stream.indirect_vreg.gather [hbm4b:s6+s3], $0x80, v3, vm0, $0xb8;
	[tilespmem:$0x18100] =	vst v63  }
0x1c1: {  	s13 =	simm.s32 $0xF900  }
0x1c2: {  	[tilespmem:s13], [sflag:$0x4] =	stream.indirect_vreg.gather [hbm4b:s7+s3], $0x80, v3, vm0, $0xb8;
	[tilespmem:$0x18100] =	vst v63  }
0x1c3: {  	_ =	swait.ge [sflag:s1], $0x4000  }
0x1c4: {  	[sflag:s1] =	ssyncset.done $0x0  }
0x1c5: {  	s0 =	rddreg [dreg:$0xf];
	[sflag:s1] =	ssyncadd.s32 $0xFFFFC000  }
0x1c6: {  	[hbm4b:s0+s3] =	stream.linear.scatter [tilespmem:s19], [sflag:$0xC], $0x4000, $0x38;
	[tilespmem:$0x18100] =	vst v63  }
0x1c7: {  	_ =	swait.ge [sflag:s21], $0x4000  }
0x1c8: {  	[sflag:s21] =	ssyncset.done $0x0  }
0x1c9: {  	s13 =	rddreg [dreg:$0x10];
	[sflag:s21] =	ssyncadd.s32 $0xFFFFC000  }
0x1ca: {  	[hbm4b:s13+s3] =	stream.linear.scatter [tilespmem:s18], [sflag:$0x7], $0x4000, $0x38;
	[tilespmem:$0x18100] =	vst v63  }
0x1cb: {  	_ =	swait.ge [sflag:s22], $0x4000  }
0x1cc: {  	[sflag:s22] =	ssyncset.done $0x0  }
0x1cd: {  	s0 =	rddreg [dreg:$0x11];
	[sflag:s22] =	ssyncadd.s32 $0xFFFFC000  }
0x1ce: {  	[hbm4b:s0+s3] =	stream.linear.scatter [tilespmem:s26], [sflag:$0x8], $0x4000, $0x38;
	[tilespmem:$0x18100] =	vst v63  }
0x1cf: {  	_ =	swait.ge [sflag:s24], $0x4000  }
0x1d0: {  	[sflag:s24] =	ssyncset.done $0x0  }
0x1d1: {  	s1 =	rddreg [dreg:$0x12];
	[sflag:s24] =	ssyncadd.s32 $0xFFFFC000  }
0x1d2: {  	[hbm4b:s1+s3] =	stream.linear.scatter [tilespmem:s30], [sflag:$0x9], $0x4000, $0x38;
	[tilespmem:$0x18100] =	vst v63  }
0x1d3: {  	_ =	swait.ge [sflag:s28], $0x4000  }
0x1d4: {  	[sflag:s28] =	ssyncset.done $0x0  }
0x1d5: {  	s13 =	rddreg [dreg:$0x13];
	[sflag:s28] =	ssyncadd.s32 $0xFFFFC000  }
0x1d6: {  	[hbm4b:s13+s3] =	stream.linear.scatter [tilespmem:s9], [sflag:$0xA], $0x4000, $0x38;
	[tilespmem:$0x18100] =	vst v63  }
0x1d7: {  	_ =	swait.ge [sflag:s4], $0x4000  }
0x1d8: {  	[sflag:s4] =	ssyncset.done $0x0  }
0x1d9: {  	[sflag:s4] =	ssyncadd.s32 $0xFFFFC000  }
0x1da: {  	_ =	swait.ge [sflag:s12], $0x4000  }
0x1db: {  	[sflag:s12] =	ssyncset.done $0x0  }
0x1dc: {  	[sflag:s12] =	ssyncadd.s32 $0xFFFFC000  }
0x1dd: {  	_ =	swait.ge [sflag:s23], $0x4000  }
0x1de: {  	[sflag:s23] =	ssyncset.done $0x0  }
0x1df: {  	[sflag:s23] =	ssyncadd.s32 $0xFFFFC000  }
0x1e0: {  	_ =	swait.ge [sflag:s25], $0x4000  }
0x1e1: {  	[sflag:s25] =	ssyncset.done $0x0  }
0x1e2: {  	[sflag:s25] =	ssyncadd.s32 $0xFFFFC000  }
0x1e3: {  	p0 =	sne.s32 s8, $0x1;
	_ =	swait.ge [sflag:s29], $0x4000  }
.Ltmp0:
0x1e4: {  	[sflag:s29] =	ssyncset.done $0x0;
	(pc) =	sbr.rel @p0 .LBB2_1-.Ltmp0, $4  }
0x1e5: {  	[sflag:s29] =	ssyncadd.s32 $0xFFFFC000  }
0x1e6: {  	_ =	swait.ge [sflag:s31], $0x4000  }
0x1e7: {  	[sflag:s31] =	ssyncset.done $0x0  }
0x1e8: {  	s8 =	sadd.s32 $0xFFFFFFFF, s8;
	[sflag:s31] =	ssyncadd.s32 $0xFFFFC000  }
0x1e9: {  	_ =	sfence.sel $0x180000  }
0x1ea: {  	[bflag:$0x0] =	sbarrier.arrive $0xFFFF  }
0x1eb: {  	_ =	strace $0x90000047  }
0x1ec: {  	s0 =	stileid.u32;
	[bflag:$0x2] =	sbarrier.arrive $0xFFFF  }
0x1ed: {  	p0 =	sne.s32 s0, $0x0;
	s0 =	rddreg [dreg:$0x3]  }
0x1ee: {  	s0 =	sadd.s32 @!p0 $0x100000, s0  }
0x1ef: {  	[sflag:s0] =	ssyncadd.tile.s32 @!p0 $0x1;
	_ =	shalt  }
.Lfunc_end2:
_tile_overlayer_lowered:
.L_overlay_start_2:
0x1f0: {  	(tag) =	ssettag $0x2  }
0x1f1: {  	s0 =	rddreg [dreg:$0x0];
	s2 =	stileid.u32  }
0x1f2: {  	s1 =	rddreg [dreg:$0x1];
	p0 =	sne.s32 s2, $0x0  }
0x1f3: {  	s3 =	rddreg [dreg:$0x2];
	[bflag:$0x3] =	sbarrier.arrive $0xFFFF;
	s2 =	simm.s32 @!p0 $0x1C0D  }
0x1f4: {  	[timem:s3], [sflag:s2] =	dma.local @!p0 [hbm:s0], s1  }
0x1f5: {  	s0 =	simm.s32 @!p0 $0xD  }
0x1f6: {  	_ =	swait.ge @!p0 [sflag:s0], s1  }
0x1f7: {  	s1 =	ssub.s32 @!p0 $0x0, s1;
	[sflag:s0] =	ssyncset.done @!p0 $0x0  }
0x1f8: {  	[sflag:s0] =	ssyncadd.s32 @!p0 s1  }
0x1f9: {  	[bflag:$0x3] =	sbarrier.arrive $0xFFFF  }
0x1fa: {  	_ =	shalt  }

</sc_bundles>
